<compile_context>
chip_gen: v7x
topology: tpu7x:2x2x1
jax: 0.10.2.dev20260603
libtpu: 0.0.44.dev20260713+nightly
codegen_flags: <defaults>
</compile_context>

<pallas_src>
import functools

import jax
import jax.numpy as jnp
from jax import lax
from jax.experimental import pallas as pl
from jax.experimental.pallas import tpu as pltpu
from jax.experimental.pallas import tpu_sc as plsc

B = 4096
D = 128
K = 8192
NCB = 3
TEMP = 0.1

BB = 512
CB = 512


def _normalize_rows(x):
    n = jnp.sqrt(jnp.sum(x * x, axis=-1, keepdims=True))
    return x / jnp.maximum(n, 1e-12)


def _bdot(a, b_arr, dims):
    return lax.dot_general(a.astype(jnp.bfloat16), b_arr.astype(jnp.bfloat16),
                           dims, preferred_element_type=jnp.float32)


def _scores_ids(res, cn2_row, c_bf):
    rm2 = (res * (-2.0)).astype(jnp.bfloat16)
    scores = cn2_row + lax.dot_general(
        rm2, c_bf, (((1,), (1,)), ((), ())),
        preferred_element_type=jnp.float32)
    rowmin = jnp.min(scores, axis=1, keepdims=True)
    lane = lax.broadcasted_iota(jnp.int32, scores.shape, 1)
    return jnp.max(jnp.where(scores == rowmin, lane, -1), axis=1,
                   keepdims=True)


def _fwd_ids_body(text_ref, image_ref,
                  wt1, bt1, wt2, bt2, wt3, bt3, wt4, bt4,
                  wi1, bi1, wi2, bi2, wi3, bi3, wi4, bi4,
                  wq1, bq1, wq2r, cb_ref, wp, bp,
                  fused_ref, ids0_ref, z2t_ref, z2i_ref, cn2_ref, loss_ref,
                  cn2_s):
    bf16 = jnp.bfloat16
    f32 = jnp.float32
    i = pl.program_id(0)

    @pl.when(i == 0)
    def _():
        ones_row = jnp.ones((1, D), dtype=bf16)
        loss = jnp.float32(0.0)
        for m in range(NCB):
            c = cb_ref[m]
            cn2_s[m] = lax.dot_general(ones_row, c * c,
                                       (((1,), (1,)), ((), ())),
                                       preferred_element_type=f32)
            cf = c.astype(f32)
            n2 = jnp.sum(cf * cf, axis=1, keepdims=True)
            cn = cf / jnp.maximum(jnp.sqrt(n2), 1e-12)
            s = jnp.sum(cn, axis=0, keepdims=True)
            loss = loss + jnp.sum(s * s)
        loss_ref[...] = jnp.full((1, D), loss * (1.0 / (NCB * K * K)),
                                 dtype=f32)
        cn2_ref[...] = cn2_s[...]

    def mlp(x, ws_bs):
        for li, (w, b) in enumerate(ws_bs):
            x = _bdot(x, w[...], (((1,), (0,)), ((), ()))) + b[...]
            if li < len(ws_bs) - 1:
                x = jnp.maximum(x, 0.0)
        return x

    emb_t = mlp(text_ref[...], [(wt1, bt1), (wt2, bt2), (wt3, bt3), (wt4, bt4)])
    emb_i = mlp(image_ref[...], [(wi1, bi1), (wi2, bi2), (wi3, bi3), (wi4, bi4)])

    def query(e):
        h = jnp.tanh(_bdot(e, wq1[...], (((1,), (0,)), ((), ()))) + bq1[...])
        return jnp.sum(h * wq2r[...], axis=-1, keepdims=True)

    a_t = query(emb_t)
    a_i = query(emb_i)
    m_ = jnp.maximum(a_t, a_i)
    e_t = jnp.exp(a_t - m_)
    e_i = jnp.exp(a_i - m_)
    denom = e_t + e_i
    fused = (e_t / denom) * emb_t + (e_i / denom) * emb_i

    fused_ref[...] = fused
    ids0_ref[...] = _scores_ids(fused, cn2_s[0], cb_ref[0])

    pdims = (((1,), (0,)), ((), ()))
    z2t_ref[...] = _normalize_rows(_bdot(emb_t, wp[...], pdims) + bp[...])
    z2i_ref[...] = _normalize_rows(_bdot(emb_i, wp[...], pdims) + bp[...])


def _stage_body(resin_ref, q_ref, cn2_ref, cb_ref, res_ref, ids_ref):
    res = resin_ref[...] - q_ref[...]
    res_ref[...] = res
    ids_ref[...] = _scores_ids(res, cn2_ref[...], cb_ref[...])


def _proj_body(fused_ref, res2_ref, q2_ref, wp, bp, z1_ref):
    q_sum = fused_ref[...] - res2_ref[...] + q2_ref[...]
    pdims = (((1,), (0,)), ((), ()))
    z1_ref[...] = _normalize_rows(_bdot(q_sum, wp[...], pdims) + bp[...])


def _contrastive_body(z1b, z2tb, z2ib, z1a, z2ta, z2ia, acc_ref):
    i = pl.program_id(0)
    inv_t = 1.0 / TEMP
    z1 = z1b[...]
    z1h = z1.astype(jnp.bfloat16)
    dims = (((1,), (1,)), ((), ()))
    s11 = lax.dot_general(z1h, z1a[...], dims,
                          preferred_element_type=jnp.float32)
    r11 = jnp.sum(jnp.exp(s11 * inv_t), axis=1, keepdims=True)
    s12t = lax.dot_general(z1h, z2ta[...], dims,
                           preferred_element_type=jnp.float32)
    r12t = jnp.sum(jnp.exp(s12t * inv_t), axis=1, keepdims=True)
    s12i = lax.dot_general(z1h, z2ia[...], dims,
                           preferred_element_type=jnp.float32)
    r12i = jnp.sum(jnp.exp(s12i * inv_t), axis=1, keepdims=True)

    d11 = jnp.sum(z1 * z1, axis=1, keepdims=True)
    d12t = jnp.sum(z1 * z2tb[...], axis=1, keepdims=True)
    d12i = jnp.sum(z1 * z2ib[...], axis=1, keepdims=True)

    refl_diag = jnp.exp(d11 * inv_t)
    t_sum = jnp.sum(jnp.log(r11 + r12t - refl_diag) - d12t * inv_t)
    i_sum = jnp.sum(jnp.log(r11 + r12i - refl_diag) - d12i * inv_t)

    lane = lax.broadcasted_iota(jnp.int32, (1, D), 1)
    row = jnp.where(lane == 0, t_sum, 0.0) + jnp.where(lane == 1, i_sum, 0.0)

    @pl.when(i == 0)
    def _():
        acc_ref[...] = row

    @pl.when(i > 0)
    def _():
        acc_ref[...] = acc_ref[...] + row


def _sc_gather(table, idx):
    info = plsc.get_sparse_core_info()
    nw = info.num_cores * info.num_subcores
    bpw = B // nw
    mesh = plsc.VectorSubcoreMesh(core_axis_name="c", subcore_axis_name="s")

    @functools.partial(
        pl.kernel, mesh=mesh,
        out_type=jax.ShapeDtypeStruct((B, D), jnp.float32),
        scratch_types=[
            pltpu.VMEM((bpw,), jnp.int32),
            pltpu.VMEM((bpw, D), jnp.float32),
            pltpu.SemaphoreType.DMA,
        ],
    )
    def k(table_hbm, idx_hbm, out_hbm, idx_v, rows_v, sem):
        wid = lax.axis_index("s") * info.num_cores + lax.axis_index("c")
        base = wid * bpw
        pltpu.sync_copy(idx_hbm.at[pl.ds(base, bpw)], idx_v)
        pltpu.async_copy(table_hbm.at[idx_v], rows_v, sem).wait()
        pltpu.sync_copy(rows_v, out_hbm.at[pl.ds(base, bpw)])

    return k(table, idx)


def kernel(text, image, mlp_text, mlp_image, query_p, codebooks, proj_p):
    wq1, bq1, wq2 = query_p
    wp, bp = proj_p
    f32 = jnp.float32
    bf16 = jnp.bfloat16

    def row(b):
        return b.reshape(1, -1).astype(f32)

    mlp_flat = []
    for params in (mlp_text, mlp_image):
        for w, b in params:
            mlp_flat.append(w.astype(bf16))
            mlp_flat.append(row(b))

    cb_bf = codebooks.astype(bf16)

    nb = B // BB
    blocked = pl.BlockSpec((BB, text.shape[1]), lambda i: (i, 0))
    blocked_d = pl.BlockSpec((BB, D), lambda i: (i, 0))
    blocked_1 = pl.BlockSpec((BB, 1), lambda i: (i, 0))

    def full2(a):
        return pl.BlockSpec(a.shape, lambda i: (0, 0))

    def full3(a):
        return pl.BlockSpec(a.shape, lambda i: (0, 0, 0))

    fwd_in_specs = [blocked, blocked]
    fwd_in_specs += [full2(a) for a in mlp_flat]
    fwd_in_specs += [full2(wq1), full2(row(bq1)), full2(wq2.reshape(1, D))]
    fwd_in_specs += [full3(cb_bf)]
    fwd_in_specs += [full2(wp), full2(row(bp))]

    fused, ids0, z2t, z2i, cn2_all, loss_row = pl.pallas_call(
        _fwd_ids_body,
        grid=(nb,),
        in_specs=fwd_in_specs,
        out_specs=[blocked_d, blocked_1, blocked_d, blocked_d,
                   pl.BlockSpec((NCB, 1, K), lambda i: (0, 0, 0)),
                   pl.BlockSpec((1, D), lambda i: (0, 0))],
        out_shape=[jax.ShapeDtypeStruct((B, D), f32),
                   jax.ShapeDtypeStruct((B, 1), jnp.int32),
                   jax.ShapeDtypeStruct((B, D), f32),
                   jax.ShapeDtypeStruct((B, D), f32),
                   jax.ShapeDtypeStruct((NCB, 1, K), f32),
                   jax.ShapeDtypeStruct((1, D), f32)],
        scratch_shapes=[pltpu.VMEM((NCB, 1, K), f32)],
    )(text, image, *mlp_flat, wq1.astype(bf16), row(bq1),
      wq2.reshape(1, D), cb_bf, wp.astype(bf16), row(bp))

    def stage(resin, q, m):
        return pl.pallas_call(
            _stage_body,
            grid=(nb,),
            in_specs=[blocked_d, blocked_d,
                      pl.BlockSpec((1, K), lambda i: (0, 0)),
                      pl.BlockSpec((K, D), lambda i: (0, 0))],
            out_specs=[blocked_d, blocked_1],
            out_shape=[jax.ShapeDtypeStruct((B, D), f32),
                       jax.ShapeDtypeStruct((B, 1), jnp.int32)],
        )(resin, q, cn2_all[m].reshape(1, K), cb_bf[m])

    q0 = _sc_gather(codebooks[0], ids0.reshape(B))
    res1, ids1 = stage(fused, q0, 1)
    q1 = _sc_gather(codebooks[1], ids1.reshape(B))
    res2, ids2 = stage(res1, q1, 2)
    q2 = _sc_gather(codebooks[2], ids2.reshape(B))

    z1 = pl.pallas_call(
        _proj_body,
        grid=(nb,),
        in_specs=[blocked_d, blocked_d, blocked_d,
                  full2(wp), full2(row(bp))],
        out_specs=blocked_d,
        out_shape=jax.ShapeDtypeStruct((B, D), f32),
    )(fused, res2, q2, wp.astype(bf16), row(bp))

    ncb_grid = B // CB
    cblocked = pl.BlockSpec((CB, D), lambda i: (i, 0))
    cfull = pl.BlockSpec((B, D), lambda i: (0, 0))
    acc = pl.pallas_call(
        _contrastive_body,
        grid=(ncb_grid,),
        in_specs=[cblocked, cblocked, cblocked, cfull, cfull, cfull],
        out_specs=pl.BlockSpec((1, D), lambda i: (0, 0)),
        out_shape=jax.ShapeDtypeStruct((1, D), f32),
    )(z1, z2t, z2i, z1.astype(bf16), z2t.astype(bf16), z2i.astype(bf16))

    c_text = acc[0, 0] / B
    c_image = acc[0, 1] / B
    return jnp.stack([loss_row[0, 0], jnp.float32(0.0), c_text, c_image])

# --- scband reference (transcript-rebuilt; emitter-appended) ---
"""Pipeline reference for scband-spatial-semantic-identifier-78400333021748 (READ-ONLY COPY).

The authoritative reference and input builder live on the scoring server;
editing this copy changes nothing except your own understanding.
"""

import jax, jax.numpy as jnp
import numpy as np

B = 4096
D_IN = 1024
D = 128
K = 8192
NCB = 3
HID = [512, 384, 256]
TEMP = 0.1

def _init_mlp(key, d_in, hids, d_out):
    dims = [d_in] + hids + [d_out]
    params = []
    for i in range(len(dims) - 1):
        key, k1 = jax.random.split(key)
        W = jax.random.normal(k1, (dims[i], dims[i + 1]), dtype=jnp.float32) * np.sqrt(2.0 / dims[i])
        b = jnp.zeros((dims[i + 1],), dtype=jnp.float32)
        params.append((W, b))
    return params

def _mlp(x, params):
    n = len(params)
    for i, (W, b) in enumerate(params):
        x = x @ W + b
        if i < n - 1:
            x = jax.nn.relu(x)
    return x

def _vq(res, C):
    d2 = jnp.sum(res * res, axis=1, keepdims=True) - 2.0 * (res @ C.T) + jnp.sum(C * C, axis=1)[None, :]
    ids = jnp.argmin(d2, axis=1)
    q = jnp.take(C, ids, axis=0)
    commit = (res - jax.lax.stop_gradient(q)) ** 2
    emb_l = (jax.lax.stop_gradient(res) - q) ** 2
    q_st = res + jax.lax.stop_gradient(q - res)
    return q_st, ids, emb_l, commit

def _normalize(x, axis=-1, eps=1e-12):
    n = jnp.linalg.norm(x, axis=axis, keepdims=True)
    return x / jnp.maximum(n, eps)

def _contrastive(z1, z2, temperature):
    z1n = _normalize(z1)
    z2n = _normalize(z2)
    refl = jnp.exp((z1n @ z1n.T) / temperature)
    between = jnp.exp((z1n @ z2n.T) / temperature)
    num = jnp.diagonal(between)
    den = refl.sum(axis=1) + between.sum(axis=1) - jnp.diagonal(refl)
    return (-jnp.log(num / den)).mean()

def _forward(text, image, mlp_text, mlp_image, query_p, codebooks, proj_p):
    Wq1, bq1, Wq2 = query_p
    Wp, bp = proj_p
    def query(e):
        return jnp.tanh(e @ Wq1 + bq1) @ Wq2
    emb_text = _mlp(text, mlp_text)
    emb_image = _mlp(image, mlp_image)
    embs_all = [emb_text, emb_image]
    attn = jnp.concatenate([query(e) for e in embs_all], axis=-1)
    weight = jax.nn.softmax(attn, axis=-1)
    fused = sum(weight[:, i][:, None] * e for i, e in enumerate(embs_all))
    res = fused
    commit_loss_acc = 0.0
    q_sum = 0.0
    for i in range(NCB):
        q_st, ids, emb_l, commit = _vq(res, codebooks[i])
        commit_loss_acc = commit_loss_acc + commit
        res = res - q_st
        q_sum = q_sum + q_st
    quantized = q_sum @ Wp + bp
    cb_n = _normalize(codebooks, axis=-1)
    codebook_loss = jnp.einsum('mkd,mjd->mkj', cb_n, cb_n).mean()
    commitment_loss = 0.0 * jnp.mean(commit_loss_acc)
    c_text = _contrastive(quantized, emb_text @ Wp + bp, TEMP)
    c_image = _contrastive(quantized, emb_image @ Wp + bp, TEMP)
    return jnp.stack([codebook_loss, commitment_loss, c_text, c_image])

def setup_inputs(seed: int = 0):
    key = jax.random.key(seed)
    ks = jax.random.split(key, 10)
    text = jax.random.normal(ks[0], (B, D_IN), dtype=jnp.float32)
    image = jax.random.normal(ks[1], (B, D_IN), dtype=jnp.float32)
    mlp_text = _init_mlp(ks[2], D_IN, HID, D)
    mlp_image = _init_mlp(ks[3], D_IN, HID, D)
    Wq1 = jax.random.normal(ks[4], (D, D), dtype=jnp.float32) * np.sqrt(1.0 / D)
    bq1 = jnp.zeros((D,), dtype=jnp.float32)
    Wq2 = jax.random.normal(ks[5], (D, 1), dtype=jnp.float32) * np.sqrt(1.0 / D)
    codebooks = jax.random.normal(ks[6], (NCB, K, D), dtype=jnp.float32)
    Wp = jax.random.normal(ks[7], (D, D), dtype=jnp.float32) * np.sqrt(1.0 / D)
    bp = jnp.zeros((D,), dtype=jnp.float32)
    return {"text": text, "image": image, "mlp_text": mlp_text, "mlp_image": mlp_image, "query_p": (Wq1, bq1, Wq2), "codebooks": codebooks, "proj_p": (Wp, bp)}

def reference(text, image, mlp_text, mlp_image, query_p, codebooks, proj_p):
    return _forward(text, image, mlp_text, mlp_image, query_p, codebooks, proj_p)

if __name__ == "__main__":
    import jax
    _d = setup_inputs()
    print(jax.jit(kernel)(*tuple(_d.values())))

</pallas_src>

<mosaic_0001>
#map = affine_map<(d0, d1) -> (0, 0)>
#map1 = affine_map<(d0, d1) -> (0)>
module attributes {stable_mosaic.version = 14 : i64} {
  func.func @k(%arg0: i32, %arg1: i32, %arg2: memref<8192x128xf32, #tpu.memory_space<hbm>>, %arg3: memref<4096xi32, #tpu.memory_space<hbm>>, %arg4: memref<4096x128xf32, #tpu.memory_space<hbm>>, %arg5: memref<128xi32, #tpu.memory_space<vmem>>, %arg6: memref<128x128xf32, #tpu.memory_space<vmem>>, %arg7: memref<!tpu.dma_semaphore, #tpu.memory_space<semaphore_mem>>) attributes {dimension_semantics = [#tpu.dimension_semantics<core_parallel>, #tpu.dimension_semantics<subcore_parallel>], iteration_bounds = array<i64: 2, 16>, scalar_prefetch = 0 : i64, scratch_operands = 3 : i64, tpu.core_type = #tpu.core_type<sc_vector_subcore>, window_params = [{transform_indices = #map}, {transform_indices = #map1}, {transform_indices = #map}]} {
    %mul3A = arith.constant 2 : i32
    %mul3A_0 = arith.muli %arg1, %mul3A : i32
    %add3A = arith.addi %mul3A_0, %arg0 : i32
    %mul3A_1 = arith.constant 128 : i32
    %mul3A_2 = arith.muli %add3A, %mul3A_1 : i32
    "tpu.region"() ({
      %run_scoped3A = tpu.sem_alloc : memref<!tpu.dma_semaphore, #tpu.memory_space<semaphore_mem>>
      %dma_start3A_7 = tpu.memref_slice %arg3[%mul3A_2] : memref<4096xi32, #tpu.memory_space<hbm>> -> memref<128xi32, #tpu.memory_space<hbm>>
      %dma_start3A_8 = tpu.memref_slice %arg3[%mul3A_2] : memref<4096xi32, #tpu.memory_space<hbm>> -> memref<128xi32, #tpu.memory_space<hbm>>
      tpu.enqueue_dma source(%dma_start3A_8 : memref<128xi32, #tpu.memory_space<hbm>>) target(%arg5 : memref<128xi32, #tpu.memory_space<vmem>>) target_semaphore(%run_scoped3A : memref<!tpu.dma_semaphore, #tpu.memory_space<semaphore_mem>>)
      %dma_wait3A_9 = tpu.memref_slice %arg3[%mul3A_2] : memref<4096xi32, #tpu.memory_space<hbm>> -> memref<128xi32, #tpu.memory_space<hbm>>
      %dma_wait3A_10 = tpu.memref_slice %arg3[%mul3A_2] : memref<4096xi32, #tpu.memory_space<hbm>> -> memref<128xi32, #tpu.memory_space<hbm>>
      tpu.wait_dma2 semaphore(%run_scoped3A : memref<!tpu.dma_semaphore, #tpu.memory_space<semaphore_mem>>) src(%dma_wait3A_10 : memref<128xi32, #tpu.memory_space<hbm>>) dst(%arg5 : memref<128xi32, #tpu.memory_space<vmem>>)
      tpu.yield
    }) : () -> ()
    %dma_start3A = arith.constant 0 : i32
    %dma_start3A_3 = arith.constant 0 : i32
    %dma_start3A_4 = tpu.memref_slice %arg2[%dma_start3A, %dma_start3A_3] : memref<8192x128xf32, #tpu.memory_space<hbm>> -> memref<8192x128xf32, #tpu.memory_space<hbm>>
    tpu.enqueue_indirect_dma source(%dma_start3A_4 : memref<8192x128xf32, #tpu.memory_space<hbm>>) target(%arg6 : memref<128x128xf32, #tpu.memory_space<vmem>>) offsets(%arg5 : memref<128xi32, #tpu.memory_space<vmem>>) semaphore(%arg7 : memref<!tpu.dma_semaphore, #tpu.memory_space<semaphore_mem>>)
    %dma_wait3A = arith.constant 0 : i32
    %dma_wait3A_5 = arith.constant 0 : i32
    %dma_wait3A_6 = tpu.memref_slice %arg2[%dma_wait3A, %dma_wait3A_5] : memref<8192x128xf32, #tpu.memory_space<hbm>> -> memref<8192x128xf32, #tpu.memory_space<hbm>>
    tpu.wait_indirect_dma semaphore(%arg7 : memref<!tpu.dma_semaphore, #tpu.memory_space<semaphore_mem>>) src(%dma_wait3A_6 : memref<8192x128xf32, #tpu.memory_space<hbm>>) dst(%arg6 : memref<128x128xf32, #tpu.memory_space<vmem>>)
    "tpu.region"() ({
      %run_scoped3A = tpu.sem_alloc : memref<!tpu.dma_semaphore, #tpu.memory_space<semaphore_mem>>
      %dma_start3A_7 = arith.constant 0 : i32
      %dma_start3A_8 = tpu.memref_slice %arg4[%mul3A_2, %dma_start3A_7] : memref<4096x128xf32, #tpu.memory_space<hbm>> -> memref<128x128xf32, #tpu.memory_space<hbm>>
      %dma_start3A_9 = arith.constant 0 : i32
      %dma_start3A_10 = tpu.memref_slice %arg4[%mul3A_2, %dma_start3A_9] : memref<4096x128xf32, #tpu.memory_space<hbm>> -> memref<128x128xf32, #tpu.memory_space<hbm>>
      tpu.enqueue_dma source(%arg6 : memref<128x128xf32, #tpu.memory_space<vmem>>) target(%dma_start3A_10 : memref<128x128xf32, #tpu.memory_space<hbm>>) target_semaphore(%run_scoped3A : memref<!tpu.dma_semaphore, #tpu.memory_space<semaphore_mem>>)
      %dma_wait3A_11 = arith.constant 0 : i32
      %dma_wait3A_12 = tpu.memref_slice %arg4[%mul3A_2, %dma_wait3A_11] : memref<4096x128xf32, #tpu.memory_space<hbm>> -> memref<128x128xf32, #tpu.memory_space<hbm>>
      %dma_wait3A_13 = arith.constant 0 : i32
      %dma_wait3A_14 = tpu.memref_slice %arg4[%mul3A_2, %dma_wait3A_13] : memref<4096x128xf32, #tpu.memory_space<hbm>> -> memref<128x128xf32, #tpu.memory_space<hbm>>
      tpu.wait_dma2 semaphore(%run_scoped3A : memref<!tpu.dma_semaphore, #tpu.memory_space<semaphore_mem>>) src(%arg6 : memref<128x128xf32, #tpu.memory_space<vmem>>) dst(%dma_wait3A_14 : memref<128x128xf32, #tpu.memory_space<hbm>>)
      tpu.yield
    }) : () -> ()
    return
  }
}

#map = affine_map<(d0, d1) -> (0, 0)>
#map1 = affine_map<(d0, d1) -> (0)>
module attributes {stable_mosaic.version = 14 : i64} {
  func.func @k(%arg0: i32, %arg1: i32, %arg2: memref<8192x128xf32, #tpu.memory_space<hbm>>, %arg3: memref<4096xi32, #tpu.memory_space<hbm>>, %arg4: memref<4096x128xf32, #tpu.memory_space<hbm>>, %arg5: memref<128xi32, #tpu.memory_space<vmem>>, %arg6: memref<128x128xf32, #tpu.memory_space<vmem>>, %arg7: memref<!tpu.dma_semaphore, #tpu.memory_space<semaphore_mem>>) attributes {dimension_semantics = [#tpu.dimension_semantics<core_parallel>, #tpu.dimension_semantics<subcore_parallel>], iteration_bounds = array<i64: 2, 16>, scalar_prefetch = 0 : i64, scratch_operands = 3 : i64, tpu.core_type = #tpu.core_type<sc_vector_subcore>, window_params = [{transform_indices = #map}, {transform_indices = #map1}, {transform_indices = #map}]} {
    %mul3A = arith.constant 2 : i32
    %mul3A_0 = arith.muli %arg1, %mul3A : i32
    %add3A = arith.addi %mul3A_0, %arg0 : i32
    %mul3A_1 = arith.constant 128 : i32
    %mul3A_2 = arith.muli %add3A, %mul3A_1 : i32
    "tpu.region"() ({
      %run_scoped3A = tpu.sem_alloc : memref<!tpu.dma_semaphore, #tpu.memory_space<semaphore_mem>>
      %dma_start3A_7 = tpu.memref_slice %arg3[%mul3A_2] : memref<4096xi32, #tpu.memory_space<hbm>> -> memref<128xi32, #tpu.memory_space<hbm>>
      %dma_start3A_8 = tpu.memref_slice %arg3[%mul3A_2] : memref<4096xi32, #tpu.memory_space<hbm>> -> memref<128xi32, #tpu.memory_space<hbm>>
      tpu.enqueue_dma source(%dma_start3A_8 : memref<128xi32, #tpu.memory_space<hbm>>) target(%arg5 : memref<128xi32, #tpu.memory_space<vmem>>) target_semaphore(%run_scoped3A : memref<!tpu.dma_semaphore, #tpu.memory_space<semaphore_mem>>)
      %dma_wait3A_9 = tpu.memref_slice %arg3[%mul3A_2] : memref<4096xi32, #tpu.memory_space<hbm>> -> memref<128xi32, #tpu.memory_space<hbm>>
      %dma_wait3A_10 = tpu.memref_slice %arg3[%mul3A_2] : memref<4096xi32, #tpu.memory_space<hbm>> -> memref<128xi32, #tpu.memory_space<hbm>>
      tpu.wait_dma2 semaphore(%run_scoped3A : memref<!tpu.dma_semaphore, #tpu.memory_space<semaphore_mem>>) src(%dma_wait3A_10 : memref<128xi32, #tpu.memory_space<hbm>>) dst(%arg5 : memref<128xi32, #tpu.memory_space<vmem>>)
      tpu.yield
    }) : () -> ()
    %dma_start3A = arith.constant 0 : i32
    %dma_start3A_3 = arith.constant 0 : i32
    %dma_start3A_4 = tpu.memref_slice %arg2[%dma_start3A, %dma_start3A_3] : memref<8192x128xf32, #tpu.memory_space<hbm>> -> memref<8192x128xf32, #tpu.memory_space<hbm>>
    tpu.enqueue_indirect_dma source(%dma_start3A_4 : memref<8192x128xf32, #tpu.memory_space<hbm>>) target(%arg6 : memref<128x128xf32, #tpu.memory_space<vmem>>) offsets(%arg5 : memref<128xi32, #tpu.memory_space<vmem>>) semaphore(%arg7 : memref<!tpu.dma_semaphore, #tpu.memory_space<semaphore_mem>>)
    %dma_wait3A = arith.constant 0 : i32
    %dma_wait3A_5 = arith.constant 0 : i32
    %dma_wait3A_6 = tpu.memref_slice %arg2[%dma_wait3A, %dma_wait3A_5] : memref<8192x128xf32, #tpu.memory_space<hbm>> -> memref<8192x128xf32, #tpu.memory_space<hbm>>
    tpu.wait_indirect_dma semaphore(%arg7 : memref<!tpu.dma_semaphore, #tpu.memory_space<semaphore_mem>>) src(%dma_wait3A_6 : memref<8192x128xf32, #tpu.memory_space<hbm>>) dst(%arg6 : memref<128x128xf32, #tpu.memory_space<vmem>>)
    "tpu.region"() ({
      %run_scoped3A = tpu.sem_alloc : memref<!tpu.dma_semaphore, #tpu.memory_space<semaphore_mem>>
      %dma_start3A_7 = arith.constant 0 : i32
      %dma_start3A_8 = tpu.memref_slice %arg4[%mul3A_2, %dma_start3A_7] : memref<4096x128xf32, #tpu.memory_space<hbm>> -> memref<128x128xf32, #tpu.memory_space<hbm>>
      %dma_start3A_9 = arith.constant 0 : i32
      %dma_start3A_10 = tpu.memref_slice %arg4[%mul3A_2, %dma_start3A_9] : memref<4096x128xf32, #tpu.memory_space<hbm>> -> memref<128x128xf32, #tpu.memory_space<hbm>>
      tpu.enqueue_dma source(%arg6 : memref<128x128xf32, #tpu.memory_space<vmem>>) target(%dma_start3A_10 : memref<128x128xf32, #tpu.memory_space<hbm>>) target_semaphore(%run_scoped3A : memref<!tpu.dma_semaphore, #tpu.memory_space<semaphore_mem>>)
      %dma_wait3A_11 = arith.constant 0 : i32
      %dma_wait3A_12 = tpu.memref_slice %arg4[%mul3A_2, %dma_wait3A_11] : memref<4096x128xf32, #tpu.memory_space<hbm>> -> memref<128x128xf32, #tpu.memory_space<hbm>>
      %dma_wait3A_13 = arith.constant 0 : i32
      %dma_wait3A_14 = tpu.memref_slice %arg4[%mul3A_2, %dma_wait3A_13] : memref<4096x128xf32, #tpu.memory_space<hbm>> -> memref<128x128xf32, #tpu.memory_space<hbm>>
      tpu.wait_dma2 semaphore(%run_scoped3A : memref<!tpu.dma_semaphore, #tpu.memory_space<semaphore_mem>>) src(%arg6 : memref<128x128xf32, #tpu.memory_space<vmem>>) dst(%dma_wait3A_14 : memref<128x128xf32, #tpu.memory_space<hbm>>)
      tpu.yield
    }) : () -> ()
    return
  }
}

#map = affine_map<(d0, d1) -> (0, 0)>
#map1 = affine_map<(d0, d1) -> (0)>
module attributes {stable_mosaic.version = 14 : i64} {
  func.func @k(%arg0: i32, %arg1: i32, %arg2: memref<8192x128xf32, #tpu.memory_space<hbm>>, %arg3: memref<4096xi32, #tpu.memory_space<hbm>>, %arg4: memref<4096x128xf32, #tpu.memory_space<hbm>>, %arg5: memref<128xi32, #tpu.memory_space<vmem>>, %arg6: memref<128x128xf32, #tpu.memory_space<vmem>>, %arg7: memref<!tpu.dma_semaphore, #tpu.memory_space<semaphore_mem>>) attributes {dimension_semantics = [#tpu.dimension_semantics<core_parallel>, #tpu.dimension_semantics<subcore_parallel>], iteration_bounds = array<i64: 2, 16>, scalar_prefetch = 0 : i64, scratch_operands = 3 : i64, tpu.core_type = #tpu.core_type<sc_vector_subcore>, window_params = [{transform_indices = #map}, {transform_indices = #map1}, {transform_indices = #map}]} {
    %mul3A = arith.constant 2 : i32
    %mul3A_0 = arith.muli %arg1, %mul3A : i32
    %add3A = arith.addi %mul3A_0, %arg0 : i32
    %mul3A_1 = arith.constant 128 : i32
    %mul3A_2 = arith.muli %add3A, %mul3A_1 : i32
    "tpu.region"() ({
      %run_scoped3A = tpu.sem_alloc : memref<!tpu.dma_semaphore, #tpu.memory_space<semaphore_mem>>
      %dma_start3A_7 = tpu.memref_slice %arg3[%mul3A_2] : memref<4096xi32, #tpu.memory_space<hbm>> -> memref<128xi32, #tpu.memory_space<hbm>>
      %dma_start3A_8 = tpu.memref_slice %arg3[%mul3A_2] : memref<4096xi32, #tpu.memory_space<hbm>> -> memref<128xi32, #tpu.memory_space<hbm>>
      tpu.enqueue_dma source(%dma_start3A_8 : memref<128xi32, #tpu.memory_space<hbm>>) target(%arg5 : memref<128xi32, #tpu.memory_space<vmem>>) target_semaphore(%run_scoped3A : memref<!tpu.dma_semaphore, #tpu.memory_space<semaphore_mem>>)
      %dma_wait3A_9 = tpu.memref_slice %arg3[%mul3A_2] : memref<4096xi32, #tpu.memory_space<hbm>> -> memref<128xi32, #tpu.memory_space<hbm>>
      %dma_wait3A_10 = tpu.memref_slice %arg3[%mul3A_2] : memref<4096xi32, #tpu.memory_space<hbm>> -> memref<128xi32, #tpu.memory_space<hbm>>
      tpu.wait_dma2 semaphore(%run_scoped3A : memref<!tpu.dma_semaphore, #tpu.memory_space<semaphore_mem>>) src(%dma_wait3A_10 : memref<128xi32, #tpu.memory_space<hbm>>) dst(%arg5 : memref<128xi32, #tpu.memory_space<vmem>>)
      tpu.yield
    }) : () -> ()
    %dma_start3A = arith.constant 0 : i32
    %dma_start3A_3 = arith.constant 0 : i32
    %dma_start3A_4 = tpu.memref_slice %arg2[%dma_start3A, %dma_start3A_3] : memref<8192x128xf32, #tpu.memory_space<hbm>> -> memref<8192x128xf32, #tpu.memory_space<hbm>>
    tpu.enqueue_indirect_dma source(%dma_start3A_4 : memref<8192x128xf32, #tpu.memory_space<hbm>>) target(%arg6 : memref<128x128xf32, #tpu.memory_space<vmem>>) offsets(%arg5 : memref<128xi32, #tpu.memory_space<vmem>>) semaphore(%arg7 : memref<!tpu.dma_semaphore, #tpu.memory_space<semaphore_mem>>)
    %dma_wait3A = arith.constant 0 : i32
    %dma_wait3A_5 = arith.constant 0 : i32
    %dma_wait3A_6 = tpu.memref_slice %arg2[%dma_wait3A, %dma_wait3A_5] : memref<8192x128xf32, #tpu.memory_space<hbm>> -> memref<8192x128xf32, #tpu.memory_space<hbm>>
    tpu.wait_indirect_dma semaphore(%arg7 : memref<!tpu.dma_semaphore, #tpu.memory_space<semaphore_mem>>) src(%dma_wait3A_6 : memref<8192x128xf32, #tpu.memory_space<hbm>>) dst(%arg6 : memref<128x128xf32, #tpu.memory_space<vmem>>)
    "tpu.region"() ({
      %run_scoped3A = tpu.sem_alloc : memref<!tpu.dma_semaphore, #tpu.memory_space<semaphore_mem>>
      %dma_start3A_7 = arith.constant 0 : i32
      %dma_start3A_8 = tpu.memref_slice %arg4[%mul3A_2, %dma_start3A_7] : memref<4096x128xf32, #tpu.memory_space<hbm>> -> memref<128x128xf32, #tpu.memory_space<hbm>>
      %dma_start3A_9 = arith.constant 0 : i32
      %dma_start3A_10 = tpu.memref_slice %arg4[%mul3A_2, %dma_start3A_9] : memref<4096x128xf32, #tpu.memory_space<hbm>> -> memref<128x128xf32, #tpu.memory_space<hbm>>
      tpu.enqueue_dma source(%arg6 : memref<128x128xf32, #tpu.memory_space<vmem>>) target(%dma_start3A_10 : memref<128x128xf32, #tpu.memory_space<hbm>>) target_semaphore(%run_scoped3A : memref<!tpu.dma_semaphore, #tpu.memory_space<semaphore_mem>>)
      %dma_wait3A_11 = arith.constant 0 : i32
      %dma_wait3A_12 = tpu.memref_slice %arg4[%mul3A_2, %dma_wait3A_11] : memref<4096x128xf32, #tpu.memory_space<hbm>> -> memref<128x128xf32, #tpu.memory_space<hbm>>
      %dma_wait3A_13 = arith.constant 0 : i32
      %dma_wait3A_14 = tpu.memref_slice %arg4[%mul3A_2, %dma_wait3A_13] : memref<4096x128xf32, #tpu.memory_space<hbm>> -> memref<128x128xf32, #tpu.memory_space<hbm>>
      tpu.wait_dma2 semaphore(%run_scoped3A : memref<!tpu.dma_semaphore, #tpu.memory_space<semaphore_mem>>) src(%arg6 : memref<128x128xf32, #tpu.memory_space<vmem>>) dst(%dma_wait3A_14 : memref<128x128xf32, #tpu.memory_space<hbm>>)
      tpu.yield
    }) : () -> ()
    return
  }
}

module attributes {stable_mosaic.version = 14 : i64} {
  func.func @_fwd_ids_body(%arg0: i32, %arg1: memref<512x1024xf32, #tpu.memory_space<vmem>>, %arg2: memref<512x1024xf32, #tpu.memory_space<vmem>>, %arg3: memref<1024x512xbf16, #tpu.memory_space<vmem>>, %arg4: memref<1x512xf32, #tpu.memory_space<vmem>>, %arg5: memref<512x384xbf16, #tpu.memory_space<vmem>>, %arg6: memref<1x384xf32, #tpu.memory_space<vmem>>, %arg7: memref<384x256xbf16, #tpu.memory_space<vmem>>, %arg8: memref<1x256xf32, #tpu.memory_space<vmem>>, %arg9: memref<256x128xbf16, #tpu.memory_space<vmem>>, %arg10: memref<1x128xf32, #tpu.memory_space<vmem>>, %arg11: memref<1024x512xbf16, #tpu.memory_space<vmem>>, %arg12: memref<1x512xf32, #tpu.memory_space<vmem>>, %arg13: memref<512x384xbf16, #tpu.memory_space<vmem>>, %arg14: memref<1x384xf32, #tpu.memory_space<vmem>>, %arg15: memref<384x256xbf16, #tpu.memory_space<vmem>>, %arg16: memref<1x256xf32, #tpu.memory_space<vmem>>, %arg17: memref<256x128xbf16, #tpu.memory_space<vmem>>, %arg18: memref<1x128xf32, #tpu.memory_space<vmem>>, %arg19: memref<128x128xbf16, #tpu.memory_space<vmem>>, %arg20: memref<1x128xf32, #tpu.memory_space<vmem>>, %arg21: memref<1x128xf32, #tpu.memory_space<vmem>>, %arg22: memref<3x8192x128xbf16, #tpu.memory_space<vmem>>, %arg23: memref<128x128xbf16, #tpu.memory_space<vmem>>, %arg24: memref<1x128xf32, #tpu.memory_space<vmem>>, %arg25: memref<512x128xf32, #tpu.memory_space<vmem>>, %arg26: memref<512x1xi32, #tpu.memory_space<vmem>>, %arg27: memref<512x128xf32, #tpu.memory_space<vmem>>, %arg28: memref<512x128xf32, #tpu.memory_space<vmem>>, %arg29: memref<3x1x8192xf32, #tpu.memory_space<vmem>>, %arg30: memref<1x128xf32, #tpu.memory_space<vmem>>, %arg31: memref<3x1x8192xf32, #tpu.memory_space<vmem>>) attributes {dimension_semantics = [#tpu.dimension_semantics<arbitrary>], iteration_bounds = array<i64: 8>, scalar_prefetch = 0 : i64, scratch_operands = 1 : i64, tpu.core_type = #tpu.core_type<tc>, window_params = [{transform_indices = @transform_0, window_bounds = array<i64: 512, 1024>}, {transform_indices = @transform_1, window_bounds = array<i64: 512, 1024>}, {pipeline_mode = #tpu.pipeline_mode<synchronous>, transform_indices = @transform_2, window_bounds = array<i64: 1024, 512>}, {pipeline_mode = #tpu.pipeline_mode<synchronous>, transform_indices = @transform_3, window_bounds = array<i64: 1, 512>}, {pipeline_mode = #tpu.pipeline_mode<synchronous>, transform_indices = @transform_4, window_bounds = array<i64: 512, 384>}, {pipeline_mode = #tpu.pipeline_mode<synchronous>, transform_indices = @transform_5, window_bounds = array<i64: 1, 384>}, {pipeline_mode = #tpu.pipeline_mode<synchronous>, transform_indices = @transform_6, window_bounds = array<i64: 384, 256>}, {pipeline_mode = #tpu.pipeline_mode<synchronous>, transform_indices = @transform_7, window_bounds = array<i64: 1, 256>}, {pipeline_mode = #tpu.pipeline_mode<synchronous>, transform_indices = @transform_8, window_bounds = array<i64: 256, 128>}, {pipeline_mode = #tpu.pipeline_mode<synchronous>, transform_indices = @transform_9, window_bounds = array<i64: 1, 128>}, {pipeline_mode = #tpu.pipeline_mode<synchronous>, transform_indices = @transform_10, window_bounds = array<i64: 1024, 512>}, {pipeline_mode = #tpu.pipeline_mode<synchronous>, transform_indices = @transform_11, window_bounds = array<i64: 1, 512>}, {pipeline_mode = #tpu.pipeline_mode<synchronous>, transform_indices = @transform_12, window_bounds = array<i64: 512, 384>}, {pipeline_mode = #tpu.pipeline_mode<synchronous>, transform_indices = @transform_13, window_bounds = array<i64: 1, 384>}, {pipeline_mode = #tpu.pipeline_mode<synchronous>, transform_indices = @transform_14, window_bounds = array<i64: 384, 256>}, {pipeline_mode = #tpu.pipeline_mode<synchronous>, transform_indices = @transform_15, window_bounds = array<i64: 1, 256>}, {pipeline_mode = #tpu.pipeline_mode<synchronous>, transform_indices = @transform_16, window_bounds = array<i64: 256, 128>}, {pipeline_mode = #tpu.pipeline_mode<synchronous>, transform_indices = @transform_17, window_bounds = array<i64: 1, 128>}, {pipeline_mode = #tpu.pipeline_mode<synchronous>, transform_indices = @transform_18, window_bounds = array<i64: 128, 128>}, {pipeline_mode = #tpu.pipeline_mode<synchronous>, transform_indices = @transform_19, window_bounds = array<i64: 1, 128>}, {pipeline_mode = #tpu.pipeline_mode<synchronous>, transform_indices = @transform_20, window_bounds = array<i64: 1, 128>}, {pipeline_mode = #tpu.pipeline_mode<synchronous>, transform_indices = @transform_21, window_bounds = array<i64: 3, 8192, 128>}, {pipeline_mode = #tpu.pipeline_mode<synchronous>, transform_indices = @transform_22, window_bounds = array<i64: 128, 128>}, {pipeline_mode = #tpu.pipeline_mode<synchronous>, transform_indices = @transform_23, window_bounds = array<i64: 1, 128>}, {transform_indices = @transform_24, window_bounds = array<i64: 512, 128>}, {transform_indices = @transform_25, window_bounds = array<i64: 512, 1>}, {transform_indices = @transform_26, window_bounds = array<i64: 512, 128>}, {transform_indices = @transform_27, window_bounds = array<i64: 512, 128>}, {pipeline_mode = #tpu.pipeline_mode<synchronous>, transform_indices = @transform_28, window_bounds = array<i64: 3, 1, 8192>}, {pipeline_mode = #tpu.pipeline_mode<synchronous>, transform_indices = @transform_29, window_bounds = array<i64: 1, 128>}]} {
    %eq3A = arith.constant 0 : i32
    %eq3A_0 = arith.cmpi eq, %arg0, %eq3A : i32
    %convert_element_type3A = arith.extui %eq3A_0 : i1 to i32
    %cond3A = arith.constant 0 : i32
    %cond3A_1 = arith.cmpi ne, %convert_element_type3A, %cond3A : i32
    scf.if %cond3A_1 {
      %broadcast_in_dim3A_233 = arith.constant 1.000000e+00 : bf16
      %broadcast_in_dim3A_234 = vector.broadcast %broadcast_in_dim3A_233 : bf16 to vector<1x128xbf16>
      %get3A_235 = arith.constant 0 : index
      %get3A_236 = arith.constant 0 : index
      %get3A_237 = arith.constant 0 : index
      %get3A_238 = vector.load %arg22[%get3A_235, %get3A_236, %get3A_237] : memref<3x8192x128xbf16, #tpu.memory_space<vmem>>, vector<1x8192x128xbf16>
      %get3A_239 = vector.shape_cast %get3A_238 : vector<1x8192x128xbf16> to vector<8192x128xbf16>
      %mul3A_240 = arith.mulf %get3A_239, %get3A_239 : vector<8192x128xbf16>
      %dot_general3A_241 = arith.constant dense<0.000000e+00> : vector<1x8192xf32>
      %dot_general3A_242 = tpu.matmul %broadcast_in_dim3A_234, %mul3A_240, %dot_general3A_241 {dimension_numbers = #tpu.dot_dimension_numbers<[1], [1], [0], [0], [0, 0, 1, 0], [], []>, transpose_lhs_hint = false} : vector<1x128xbf16>, vector<8192x128xbf16>, vector<1x8192xf32> -> vector<1x8192xf32>
      %swap3A_243 = arith.constant 0 : index
      %swap3A_244 = arith.constant 0 : index
      %swap3A_245 = arith.constant 0 : index
      %swap3A_246 = vector.load %arg31[%swap3A_243, %swap3A_244, %swap3A_245] : memref<3x1x8192xf32, #tpu.memory_space<vmem>>, vector<1x1x8192xf32>
      %swap3A_247 = vector.shape_cast %swap3A_246 : vector<1x1x8192xf32> to vector<1x8192xf32>
      %swap3A_248 = vector.shape_cast %dot_general3A_242 : vector<1x8192xf32> to vector<1x1x8192xf32>
      tpu.vector_store %arg31[%swap3A_243, %swap3A_244, %swap3A_245], %swap3A_248 {strides = array<i32>} : memref<3x1x8192xf32, #tpu.memory_space<vmem>>, vector<1x1x8192xf32>,
      %convert_element_type3A_249 = arith.extf %get3A_239 : vector<8192x128xbf16> to vector<8192x128xf32>
      %mul3A_250 = arith.mulf %convert_element_type3A_249, %convert_element_type3A_249 : vector<8192x128xf32>
      %reduce_sum3A_251 = arith.constant dense<0.000000e+00> : vector<8192xf32>
      %reduce_sum3A_252 = vector.multi_reduction <add>, %mul3A_250, %reduce_sum3A_251 [1] : vector<8192x128xf32> to vector<8192xf32>
      %broadcast_in_dim3A_253 = vector.shape_cast %reduce_sum3A_252 : vector<8192xf32> to vector<8192x1xf32>
      %sqrt3A_254 = math.sqrt %broadcast_in_dim3A_253 : vector<8192x1xf32>
      %max3A_255 = arith.constant 9.99999996E-13 : f32
      %max3A_256 = vector.broadcast %max3A_255 : f32 to vector<8192x1xf32>
      %max3A_257 = arith.maximumf %sqrt3A_254, %max3A_256 : vector<8192x1xf32>
      %div3A_258 = vector.broadcast %max3A_257 : vector<8192x1xf32> to vector<8192x128xf32>
      %div3A_259 = arith.divf %convert_element_type3A_249, %div3A_258 : vector<8192x128xf32>
      %reduce_sum3A_260 = arith.constant dense<0.000000e+00> : vector<128xf32>
      %reduce_sum3A_261 = vector.multi_reduction <add>, %div3A_259, %reduce_sum3A_260 [0] : vector<8192x128xf32> to vector<128xf32>
      %broadcast_in_dim3A_262 = vector.shape_cast %reduce_sum3A_261 : vector<128xf32> to vector<1x128xf32>
      %mul3A_263 = arith.mulf %broadcast_in_dim3A_262, %broadcast_in_dim3A_262 : vector<1x128xf32>
      %reduce_sum3A_264 = vector.shape_cast %mul3A_263 : vector<1x128xf32> to vector<1x1x128xf32>
      %reduce_sum3A_265 = arith.constant dense<0.000000e+00> : vector<1xf32>
      %reduce_sum3A_266 = vector.multi_reduction <add>, %reduce_sum3A_264, %reduce_sum3A_265 [1, 2] : vector<1x1x128xf32> to vector<1xf32>
      %reduce_sum3A_267 = vector.shape_cast %reduce_sum3A_266 : vector<1xf32> to vector<1x1x1xf32>
      %reduce_sum3A_268 = vector.extract %reduce_sum3A_267[0, 0, 0] : f32 from vector<1x1x1xf32>
      %add3A_269 = arith.constant 0.000000e+00 : f32
      %add3A_270 = arith.addf %add3A_269, %reduce_sum3A_268 : f32
      %get3A_271 = arith.constant 1 : index
      %get3A_272 = arith.constant 0 : index
      %get3A_273 = arith.constant 0 : index
      %get3A_274 = vector.load %arg22[%get3A_271, %get3A_272, %get3A_273] : memref<3x8192x128xbf16, #tpu.memory_space<vmem>>, vector<1x8192x128xbf16>
      %get3A_275 = vector.shape_cast %get3A_274 : vector<1x8192x128xbf16> to vector<8192x128xbf16>
      %mul3A_276 = arith.mulf %get3A_275, %get3A_275 : vector<8192x128xbf16>
      %dot_general3A_277 = arith.constant dense<0.000000e+00> : vector<1x8192xf32>
      %dot_general3A_278 = tpu.matmul %broadcast_in_dim3A_234, %mul3A_276, %dot_general3A_277 {dimension_numbers = #tpu.dot_dimension_numbers<[1], [1], [0], [0], [0, 0, 1, 0], [], []>, transpose_lhs_hint = false} : vector<1x128xbf16>, vector<8192x128xbf16>, vector<1x8192xf32> -> vector<1x8192xf32>
      %swap3A_279 = arith.constant 1 : index
      %swap3A_280 = arith.constant 0 : index
      %swap3A_281 = arith.constant 0 : index
      %swap3A_282 = vector.load %arg31[%swap3A_279, %swap3A_280, %swap3A_281] : memref<3x1x8192xf32, #tpu.memory_space<vmem>>, vector<1x1x8192xf32>
      %swap3A_283 = vector.shape_cast %swap3A_282 : vector<1x1x8192xf32> to vector<1x8192xf32>
      %swap3A_284 = vector.shape_cast %dot_general3A_278 : vector<1x8192xf32> to vector<1x1x8192xf32>
      tpu.vector_store %arg31[%swap3A_279, %swap3A_280, %swap3A_281], %swap3A_284 {strides = array<i32>} : memref<3x1x8192xf32, #tpu.memory_space<vmem>>, vector<1x1x8192xf32>,
      %convert_element_type3A_285 = arith.extf %get3A_275 : vector<8192x128xbf16> to vector<8192x128xf32>
      %mul3A_286 = arith.mulf %convert_element_type3A_285, %convert_element_type3A_285 : vector<8192x128xf32>
      %reduce_sum3A_287 = arith.constant dense<0.000000e+00> : vector<8192xf32>
      %reduce_sum3A_288 = vector.multi_reduction <add>, %mul3A_286, %reduce_sum3A_287 [1] : vector<8192x128xf32> to vector<8192xf32>
      %broadcast_in_dim3A_289 = vector.shape_cast %reduce_sum3A_288 : vector<8192xf32> to vector<8192x1xf32>
      %sqrt3A_290 = math.sqrt %broadcast_in_dim3A_289 : vector<8192x1xf32>
      %max3A_291 = arith.constant 9.99999996E-13 : f32
      %max3A_292 = vector.broadcast %max3A_291 : f32 to vector<8192x1xf32>
      %max3A_293 = arith.maximumf %sqrt3A_290, %max3A_292 : vector<8192x1xf32>
      %div3A_294 = vector.broadcast %max3A_293 : vector<8192x1xf32> to vector<8192x128xf32>
      %div3A_295 = arith.divf %convert_element_type3A_285, %div3A_294 : vector<8192x128xf32>
      %reduce_sum3A_296 = arith.constant dense<0.000000e+00> : vector<128xf32>
      %reduce_sum3A_297 = vector.multi_reduction <add>, %div3A_295, %reduce_sum3A_296 [0] : vector<8192x128xf32> to vector<128xf32>
      %broadcast_in_dim3A_298 = vector.shape_cast %reduce_sum3A_297 : vector<128xf32> to vector<1x128xf32>
      %mul3A_299 = arith.mulf %broadcast_in_dim3A_298, %broadcast_in_dim3A_298 : vector<1x128xf32>
      %reduce_sum3A_300 = vector.shape_cast %mul3A_299 : vector<1x128xf32> to vector<1x1x128xf32>
      %reduce_sum3A_301 = arith.constant dense<0.000000e+00> : vector<1xf32>
      %reduce_sum3A_302 = vector.multi_reduction <add>, %reduce_sum3A_300, %reduce_sum3A_301 [1, 2] : vector<1x1x128xf32> to vector<1xf32>
      %reduce_sum3A_303 = vector.shape_cast %reduce_sum3A_302 : vector<1xf32> to vector<1x1x1xf32>
      %reduce_sum3A_304 = vector.extract %reduce_sum3A_303[0, 0, 0] : f32 from vector<1x1x1xf32>
      %add3A_305 = arith.addf %add3A_270, %reduce_sum3A_304 : f32
      %get3A_306 = arith.constant 2 : index
      %get3A_307 = arith.constant 0 : index
      %get3A_308 = arith.constant 0 : index
      %get3A_309 = vector.load %arg22[%get3A_306, %get3A_307, %get3A_308] : memref<3x8192x128xbf16, #tpu.memory_space<vmem>>, vector<1x8192x128xbf16>
      %get3A_310 = vector.shape_cast %get3A_309 : vector<1x8192x128xbf16> to vector<8192x128xbf16>
      %mul3A_311 = arith.mulf %get3A_310, %get3A_310 : vector<8192x128xbf16>
      %dot_general3A_312 = arith.constant dense<0.000000e+00> : vector<1x8192xf32>
      %dot_general3A_313 = tpu.matmul %broadcast_in_dim3A_234, %mul3A_311, %dot_general3A_312 {dimension_numbers = #tpu.dot_dimension_numbers<[1], [1], [0], [0], [0, 0, 1, 0], [], []>, transpose_lhs_hint = false} : vector<1x128xbf16>, vector<8192x128xbf16>, vector<1x8192xf32> -> vector<1x8192xf32>
      %swap3A_314 = arith.constant 2 : index
      %swap3A_315 = arith.constant 0 : index
      %swap3A_316 = arith.constant 0 : index
      %swap3A_317 = vector.load %arg31[%swap3A_314, %swap3A_315, %swap3A_316] : memref<3x1x8192xf32, #tpu.memory_space<vmem>>, vector<1x1x8192xf32>
      %swap3A_318 = vector.shape_cast %swap3A_317 : vector<1x1x8192xf32> to vector<1x8192xf32>
      %swap3A_319 = vector.shape_cast %dot_general3A_313 : vector<1x8192xf32> to vector<1x1x8192xf32>
      tpu.vector_store %arg31[%swap3A_314, %swap3A_315, %swap3A_316], %swap3A_319 {strides = array<i32>} : memref<3x1x8192xf32, #tpu.memory_space<vmem>>, vector<1x1x8192xf32>,
      %convert_element_type3A_320 = arith.extf %get3A_310 : vector<8192x128xbf16> to vector<8192x128xf32>
      %mul3A_321 = arith.mulf %convert_element_type3A_320, %convert_element_type3A_320 : vector<8192x128xf32>
      %reduce_sum3A_322 = arith.constant dense<0.000000e+00> : vector<8192xf32>
      %reduce_sum3A_323 = vector.multi_reduction <add>, %mul3A_321, %reduce_sum3A_322 [1] : vector<8192x128xf32> to vector<8192xf32>
      %broadcast_in_dim3A_324 = vector.shape_cast %reduce_sum3A_323 : vector<8192xf32> to vector<8192x1xf32>
      %sqrt3A_325 = math.sqrt %broadcast_in_dim3A_324 : vector<8192x1xf32>
      %max3A_326 = arith.constant 9.99999996E-13 : f32
      %max3A_327 = vector.broadcast %max3A_326 : f32 to vector<8192x1xf32>
      %max3A_328 = arith.maximumf %sqrt3A_325, %max3A_327 : vector<8192x1xf32>
      %div3A_329 = vector.broadcast %max3A_328 : vector<8192x1xf32> to vector<8192x128xf32>
      %div3A_330 = arith.divf %convert_element_type3A_320, %div3A_329 : vector<8192x128xf32>
      %reduce_sum3A_331 = arith.constant dense<0.000000e+00> : vector<128xf32>
      %reduce_sum3A_332 = vector.multi_reduction <add>, %div3A_330, %reduce_sum3A_331 [0] : vector<8192x128xf32> to vector<128xf32>
      %broadcast_in_dim3A_333 = vector.shape_cast %reduce_sum3A_332 : vector<128xf32> to vector<1x128xf32>
      %mul3A_334 = arith.mulf %broadcast_in_dim3A_333, %broadcast_in_dim3A_333 : vector<1x128xf32>
      %reduce_sum3A_335 = vector.shape_cast %mul3A_334 : vector<1x128xf32> to vector<1x1x128xf32>
      %reduce_sum3A_336 = arith.constant dense<0.000000e+00> : vector<1xf32>
      %reduce_sum3A_337 = vector.multi_reduction <add>, %reduce_sum3A_335, %reduce_sum3A_336 [1, 2] : vector<1x1x128xf32> to vector<1xf32>
      %reduce_sum3A_338 = vector.shape_cast %reduce_sum3A_337 : vector<1xf32> to vector<1x1x1xf32>
      %reduce_sum3A_339 = vector.extract %reduce_sum3A_338[0, 0, 0] : f32 from vector<1x1x1xf32>
      %add3A_340 = arith.addf %add3A_305, %reduce_sum3A_339 : f32
      %mul3A_341 = arith.constant 4.96705388E-9 : f32
      %mul3A_342 = arith.mulf %add3A_340, %mul3A_341 : f32
      %broadcast_in_dim3A_343 = vector.broadcast %mul3A_342 : f32 to vector<1x128xf32>
      %swap3A_344 = arith.constant 0 : index
      %swap3A_345 = arith.constant 0 : index
      %swap3A_346 = vector.load %arg30[%swap3A_344, %swap3A_345] : memref<1x128xf32, #tpu.memory_space<vmem>>, vector<1x128xf32>
      tpu.vector_store %arg30[%swap3A_344, %swap3A_345], %broadcast_in_dim3A_343 {strides = array<i32>} : memref<1x128xf32, #tpu.memory_space<vmem>>, vector<1x128xf32>,
      %get3A_347 = arith.constant 0 : index
      %get3A_348 = arith.constant 0 : index
      %get3A_349 = arith.constant 0 : index
      %get3A_350 = vector.load %arg31[%get3A_347, %get3A_348, %get3A_349] : memref<3x1x8192xf32, #tpu.memory_space<vmem>>, vector<3x1x8192xf32>
      %swap3A_351 = arith.constant 0 : index
      %swap3A_352 = arith.constant 0 : index
      %swap3A_353 = arith.constant 0 : index
      %swap3A_354 = vector.load %arg29[%swap3A_351, %swap3A_352, %swap3A_353] : memref<3x1x8192xf32, #tpu.memory_space<vmem>>, vector<3x1x8192xf32>
      tpu.vector_store %arg29[%swap3A_351, %swap3A_352, %swap3A_353], %get3A_350 {strides = array<i32>} : memref<3x1x8192xf32, #tpu.memory_space<vmem>>, vector<3x1x8192xf32>,
    } else {
    }
    %get3A = arith.constant 0 : index
    %get3A_2 = arith.constant 0 : index
    %get3A_3 = vector.load %arg1[%get3A, %get3A_2] : memref<512x1024xf32, #tpu.memory_space<vmem>>, vector<512x1024xf32>
    %get3A_4 = arith.constant 0 : index
    %get3A_5 = arith.constant 0 : index
    %get3A_6 = vector.load %arg3[%get3A_4, %get3A_5] : memref<1024x512xbf16, #tpu.memory_space<vmem>>, vector<1024x512xbf16>
    %convert_element_type3A_7 = arith.truncf %get3A_3 : vector<512x1024xf32> to vector<512x1024xbf16>
    %dot_general3A = arith.constant dense<0.000000e+00> : vector<512x512xf32>
    %dot_general3A_8 = tpu.matmul %convert_element_type3A_7, %get3A_6, %dot_general3A {dimension_numbers = #tpu.dot_dimension_numbers<[1], [0], [0], [1], [0, 0, 1, 1], [], []>, transpose_lhs_hint = false} : vector<512x1024xbf16>, vector<1024x512xbf16>, vector<512x512xf32> -> vector<512x512xf32>
    %get3A_9 = arith.constant 0 : index
    %get3A_10 = arith.constant 0 : index
    %get3A_11 = vector.load %arg4[%get3A_9, %get3A_10] : memref<1x512xf32, #tpu.memory_space<vmem>>, vector<1x512xf32>
    %add3A = vector.broadcast %get3A_11 : vector<1x512xf32> to vector<512x512xf32>
    %add3A_12 = arith.addf %dot_general3A_8, %add3A : vector<512x512xf32>
    %max3A = arith.constant 0.000000e+00 : f32
    %max3A_13 = vector.broadcast %max3A : f32 to vector<512x512xf32>
    %max3A_14 = arith.maximumf %add3A_12, %max3A_13 : vector<512x512xf32>
    %get3A_15 = arith.constant 0 : index
    %get3A_16 = arith.constant 0 : index
    %get3A_17 = vector.load %arg5[%get3A_15, %get3A_16] : memref<512x384xbf16, #tpu.memory_space<vmem>>, vector<512x384xbf16>
    %convert_element_type3A_18 = arith.truncf %max3A_14 : vector<512x512xf32> to vector<512x512xbf16>
    %dot_general3A_19 = arith.constant dense<0.000000e+00> : vector<512x384xf32>
    %dot_general3A_20 = tpu.matmul %convert_element_type3A_18, %get3A_17, %dot_general3A_19 {dimension_numbers = #tpu.dot_dimension_numbers<[1], [0], [0], [1], [0, 0, 1, 1], [], []>, transpose_lhs_hint = false} : vector<512x512xbf16>, vector<512x384xbf16>, vector<512x384xf32> -> vector<512x384xf32>
    %get3A_21 = arith.constant 0 : index
    %get3A_22 = arith.constant 0 : index
    %get3A_23 = vector.load %arg6[%get3A_21, %get3A_22] : memref<1x384xf32, #tpu.memory_space<vmem>>, vector<1x384xf32>
    %add3A_24 = vector.broadcast %get3A_23 : vector<1x384xf32> to vector<512x384xf32>
    %add3A_25 = arith.addf %dot_general3A_20, %add3A_24 : vector<512x384xf32>
    %max3A_26 = arith.constant 0.000000e+00 : f32
    %max3A_27 = vector.broadcast %max3A_26 : f32 to vector<512x384xf32>
    %max3A_28 = arith.maximumf %add3A_25, %max3A_27 : vector<512x384xf32>
    %get3A_29 = arith.constant 0 : index
    %get3A_30 = arith.constant 0 : index
    %get3A_31 = vector.load %arg7[%get3A_29, %get3A_30] : memref<384x256xbf16, #tpu.memory_space<vmem>>, vector<384x256xbf16>
    %convert_element_type3A_32 = arith.truncf %max3A_28 : vector<512x384xf32> to vector<512x384xbf16>
    %dot_general3A_33 = arith.constant dense<0.000000e+00> : vector<512x256xf32>
    %dot_general3A_34 = tpu.matmul %convert_element_type3A_32, %get3A_31, %dot_general3A_33 {dimension_numbers = #tpu.dot_dimension_numbers<[1], [0], [0], [1], [0, 0, 1, 1], [], []>, transpose_lhs_hint = false} : vector<512x384xbf16>, vector<384x256xbf16>, vector<512x256xf32> -> vector<512x256xf32>
    %get3A_35 = arith.constant 0 : index
    %get3A_36 = arith.constant 0 : index
    %get3A_37 = vector.load %arg8[%get3A_35, %get3A_36] : memref<1x256xf32, #tpu.memory_space<vmem>>, vector<1x256xf32>
    %add3A_38 = vector.broadcast %get3A_37 : vector<1x256xf32> to vector<512x256xf32>
    %add3A_39 = arith.addf %dot_general3A_34, %add3A_38 : vector<512x256xf32>
    %max3A_40 = arith.constant 0.000000e+00 : f32
    %max3A_41 = vector.broadcast %max3A_40 : f32 to vector<512x256xf32>
    %max3A_42 = arith.maximumf %add3A_39, %max3A_41 : vector<512x256xf32>
    %get3A_43 = arith.constant 0 : index
    %get3A_44 = arith.constant 0 : index
    %get3A_45 = vector.load %arg9[%get3A_43, %get3A_44] : memref<256x128xbf16, #tpu.memory_space<vmem>>, vector<256x128xbf16>
    %convert_element_type3A_46 = arith.truncf %max3A_42 : vector<512x256xf32> to vector<512x256xbf16>
    %dot_general3A_47 = arith.constant dense<0.000000e+00> : vector<512x128xf32>
    %dot_general3A_48 = tpu.matmul %convert_element_type3A_46, %get3A_45, %dot_general3A_47 {dimension_numbers = #tpu.dot_dimension_numbers<[1], [0], [0], [1], [0, 0, 1, 1], [], []>, transpose_lhs_hint = false} : vector<512x256xbf16>, vector<256x128xbf16>, vector<512x128xf32> -> vector<512x128xf32>
    %get3A_49 = arith.constant 0 : index
    %get3A_50 = arith.constant 0 : index
    %get3A_51 = vector.load %arg10[%get3A_49, %get3A_50] : memref<1x128xf32, #tpu.memory_space<vmem>>, vector<1x128xf32>
    %add3A_52 = vector.broadcast %get3A_51 : vector<1x128xf32> to vector<512x128xf32>
    %add3A_53 = arith.addf %dot_general3A_48, %add3A_52 : vector<512x128xf32>
    %get3A_54 = arith.constant 0 : index
    %get3A_55 = arith.constant 0 : index
    %get3A_56 = vector.load %arg2[%get3A_54, %get3A_55] : memref<512x1024xf32, #tpu.memory_space<vmem>>, vector<512x1024xf32>
    %get3A_57 = arith.constant 0 : index
    %get3A_58 = arith.constant 0 : index
    %get3A_59 = vector.load %arg11[%get3A_57, %get3A_58] : memref<1024x512xbf16, #tpu.memory_space<vmem>>, vector<1024x512xbf16>
    %convert_element_type3A_60 = arith.truncf %get3A_56 : vector<512x1024xf32> to vector<512x1024xbf16>
    %dot_general3A_61 = arith.constant dense<0.000000e+00> : vector<512x512xf32>
    %dot_general3A_62 = tpu.matmul %convert_element_type3A_60, %get3A_59, %dot_general3A_61 {dimension_numbers = #tpu.dot_dimension_numbers<[1], [0], [0], [1], [0, 0, 1, 1], [], []>, transpose_lhs_hint = false} : vector<512x1024xbf16>, vector<1024x512xbf16>, vector<512x512xf32> -> vector<512x512xf32>
    %get3A_63 = arith.constant 0 : index
    %get3A_64 = arith.constant 0 : index
    %get3A_65 = vector.load %arg12[%get3A_63, %get3A_64] : memref<1x512xf32, #tpu.memory_space<vmem>>, vector<1x512xf32>
    %add3A_66 = vector.broadcast %get3A_65 : vector<1x512xf32> to vector<512x512xf32>
    %add3A_67 = arith.addf %dot_general3A_62, %add3A_66 : vector<512x512xf32>
    %max3A_68 = arith.constant 0.000000e+00 : f32
    %max3A_69 = vector.broadcast %max3A_68 : f32 to vector<512x512xf32>
    %max3A_70 = arith.maximumf %add3A_67, %max3A_69 : vector<512x512xf32>
    %get3A_71 = arith.constant 0 : index
    %get3A_72 = arith.constant 0 : index
    %get3A_73 = vector.load %arg13[%get3A_71, %get3A_72] : memref<512x384xbf16, #tpu.memory_space<vmem>>, vector<512x384xbf16>
    %convert_element_type3A_74 = arith.truncf %max3A_70 : vector<512x512xf32> to vector<512x512xbf16>
    %dot_general3A_75 = arith.constant dense<0.000000e+00> : vector<512x384xf32>
    %dot_general3A_76 = tpu.matmul %convert_element_type3A_74, %get3A_73, %dot_general3A_75 {dimension_numbers = #tpu.dot_dimension_numbers<[1], [0], [0], [1], [0, 0, 1, 1], [], []>, transpose_lhs_hint = false} : vector<512x512xbf16>, vector<512x384xbf16>, vector<512x384xf32> -> vector<512x384xf32>
    %get3A_77 = arith.constant 0 : index
    %get3A_78 = arith.constant 0 : index
    %get3A_79 = vector.load %arg14[%get3A_77, %get3A_78] : memref<1x384xf32, #tpu.memory_space<vmem>>, vector<1x384xf32>
    %add3A_80 = vector.broadcast %get3A_79 : vector<1x384xf32> to vector<512x384xf32>
    %add3A_81 = arith.addf %dot_general3A_76, %add3A_80 : vector<512x384xf32>
    %max3A_82 = arith.constant 0.000000e+00 : f32
    %max3A_83 = vector.broadcast %max3A_82 : f32 to vector<512x384xf32>
    %max3A_84 = arith.maximumf %add3A_81, %max3A_83 : vector<512x384xf32>
    %get3A_85 = arith.constant 0 : index
    %get3A_86 = arith.constant 0 : index
    %get3A_87 = vector.load %arg15[%get3A_85, %get3A_86] : memref<384x256xbf16, #tpu.memory_space<vmem>>, vector<384x256xbf16>
    %convert_element_type3A_88 = arith.truncf %max3A_84 : vector<512x384xf32> to vector<512x384xbf16>
    %dot_general3A_89 = arith.constant dense<0.000000e+00> : vector<512x256xf32>
    %dot_general3A_90 = tpu.matmul %convert_element_type3A_88, %get3A_87, %dot_general3A_89 {dimension_numbers = #tpu.dot_dimension_numbers<[1], [0], [0], [1], [0, 0, 1, 1], [], []>, transpose_lhs_hint = false} : vector<512x384xbf16>, vector<384x256xbf16>, vector<512x256xf32> -> vector<512x256xf32>
    %get3A_91 = arith.constant 0 : index
    %get3A_92 = arith.constant 0 : index
    %get3A_93 = vector.load %arg16[%get3A_91, %get3A_92] : memref<1x256xf32, #tpu.memory_space<vmem>>, vector<1x256xf32>
    %add3A_94 = vector.broadcast %get3A_93 : vector<1x256xf32> to vector<512x256xf32>
    %add3A_95 = arith.addf %dot_general3A_90, %add3A_94 : vector<512x256xf32>
    %max3A_96 = arith.constant 0.000000e+00 : f32
    %max3A_97 = vector.broadcast %max3A_96 : f32 to vector<512x256xf32>
    %max3A_98 = arith.maximumf %add3A_95, %max3A_97 : vector<512x256xf32>
    %get3A_99 = arith.constant 0 : index
    %get3A_100 = arith.constant 0 : index
    %get3A_101 = vector.load %arg17[%get3A_99, %get3A_100] : memref<256x128xbf16, #tpu.memory_space<vmem>>, vector<256x128xbf16>
    %convert_element_type3A_102 = arith.truncf %max3A_98 : vector<512x256xf32> to vector<512x256xbf16>
    %dot_general3A_103 = arith.constant dense<0.000000e+00> : vector<512x128xf32>
    %dot_general3A_104 = tpu.matmul %convert_element_type3A_102, %get3A_101, %dot_general3A_103 {dimension_numbers = #tpu.dot_dimension_numbers<[1], [0], [0], [1], [0, 0, 1, 1], [], []>, transpose_lhs_hint = false} : vector<512x256xbf16>, vector<256x128xbf16>, vector<512x128xf32> -> vector<512x128xf32>
    %get3A_105 = arith.constant 0 : index
    %get3A_106 = arith.constant 0 : index
    %get3A_107 = vector.load %arg18[%get3A_105, %get3A_106] : memref<1x128xf32, #tpu.memory_space<vmem>>, vector<1x128xf32>
    %add3A_108 = vector.broadcast %get3A_107 : vector<1x128xf32> to vector<512x128xf32>
    %add3A_109 = arith.addf %dot_general3A_104, %add3A_108 : vector<512x128xf32>
    %get3A_110 = arith.constant 0 : index
    %get3A_111 = arith.constant 0 : index
    %get3A_112 = vector.load %arg19[%get3A_110, %get3A_111] : memref<128x128xbf16, #tpu.memory_space<vmem>>, vector<128x128xbf16>
    %convert_element_type3A_113 = arith.truncf %add3A_53 : vector<512x128xf32> to vector<512x128xbf16>
    %dot_general3A_114 = arith.constant dense<0.000000e+00> : vector<512x128xf32>
    %dot_general3A_115 = tpu.matmul %convert_element_type3A_113, %get3A_112, %dot_general3A_114 {dimension_numbers = #tpu.dot_dimension_numbers<[1], [0], [0], [1], [0, 0, 1, 1], [], []>, transpose_lhs_hint = false} : vector<512x128xbf16>, vector<128x128xbf16>, vector<512x128xf32> -> vector<512x128xf32>
    %get3A_116 = arith.constant 0 : index
    %get3A_117 = arith.constant 0 : index
    %get3A_118 = vector.load %arg20[%get3A_116, %get3A_117] : memref<1x128xf32, #tpu.memory_space<vmem>>, vector<1x128xf32>
    %add3A_119 = vector.broadcast %get3A_118 : vector<1x128xf32> to vector<512x128xf32>
    %add3A_120 = arith.addf %dot_general3A_115, %add3A_119 : vector<512x128xf32>
    %tanh3A = math.tanh %add3A_120 : vector<512x128xf32>
    %get3A_121 = arith.constant 0 : index
    %get3A_122 = arith.constant 0 : index
    %get3A_123 = vector.load %arg21[%get3A_121, %get3A_122] : memref<1x128xf32, #tpu.memory_space<vmem>>, vector<1x128xf32>
    %mul3A = vector.broadcast %get3A_123 : vector<1x128xf32> to vector<512x128xf32>
    %mul3A_124 = arith.mulf %tanh3A, %mul3A : vector<512x128xf32>
    %reduce_sum3A = arith.constant dense<0.000000e+00> : vector<512xf32>
    %reduce_sum3A_125 = vector.multi_reduction <add>, %mul3A_124, %reduce_sum3A [1] : vector<512x128xf32> to vector<512xf32>
    %broadcast_in_dim3A = vector.shape_cast %reduce_sum3A_125 : vector<512xf32> to vector<512x1xf32>
    %get3A_126 = arith.constant 0 : index
    %get3A_127 = arith.constant 0 : index
    %get3A_128 = vector.load %arg19[%get3A_126, %get3A_127] : memref<128x128xbf16, #tpu.memory_space<vmem>>, vector<128x128xbf16>
    %convert_element_type3A_129 = arith.truncf %add3A_109 : vector<512x128xf32> to vector<512x128xbf16>
    %dot_general3A_130 = arith.constant dense<0.000000e+00> : vector<512x128xf32>
    %dot_general3A_131 = tpu.matmul %convert_element_type3A_129, %get3A_128, %dot_general3A_130 {dimension_numbers = #tpu.dot_dimension_numbers<[1], [0], [0], [1], [0, 0, 1, 1], [], []>, transpose_lhs_hint = false} : vector<512x128xbf16>, vector<128x128xbf16>, vector<512x128xf32> -> vector<512x128xf32>
    %get3A_132 = arith.constant 0 : index
    %get3A_133 = arith.constant 0 : index
    %get3A_134 = vector.load %arg20[%get3A_132, %get3A_133] : memref<1x128xf32, #tpu.memory_space<vmem>>, vector<1x128xf32>
    %add3A_135 = vector.broadcast %get3A_134 : vector<1x128xf32> to vector<512x128xf32>
    %add3A_136 = arith.addf %dot_general3A_131, %add3A_135 : vector<512x128xf32>
    %tanh3A_137 = math.tanh %add3A_136 : vector<512x128xf32>
    %get3A_138 = arith.constant 0 : index
    %get3A_139 = arith.constant 0 : index
    %get3A_140 = vector.load %arg21[%get3A_138, %get3A_139] : memref<1x128xf32, #tpu.memory_space<vmem>>, vector<1x128xf32>
    %mul3A_141 = vector.broadcast %get3A_140 : vector<1x128xf32> to vector<512x128xf32>
    %mul3A_142 = arith.mulf %tanh3A_137, %mul3A_141 : vector<512x128xf32>
    %reduce_sum3A_143 = arith.constant dense<0.000000e+00> : vector<512xf32>
    %reduce_sum3A_144 = vector.multi_reduction <add>, %mul3A_142, %reduce_sum3A_143 [1] : vector<512x128xf32> to vector<512xf32>
    %broadcast_in_dim3A_145 = vector.shape_cast %reduce_sum3A_144 : vector<512xf32> to vector<512x1xf32>
    %max3A_146 = arith.maximumf %broadcast_in_dim3A, %broadcast_in_dim3A_145 : vector<512x1xf32>
    %sub3A = arith.subf %broadcast_in_dim3A, %max3A_146 : vector<512x1xf32>
    %exp3A = math.exp %sub3A : vector<512x1xf32>
    %sub3A_147 = arith.subf %broadcast_in_dim3A_145, %max3A_146 : vector<512x1xf32>
    %exp3A_148 = math.exp %sub3A_147 : vector<512x1xf32>
    %add3A_149 = arith.addf %exp3A, %exp3A_148 : vector<512x1xf32>
    %div3A = arith.divf %exp3A, %add3A_149 : vector<512x1xf32>
    %mul3A_150 = vector.broadcast %div3A : vector<512x1xf32> to vector<512x128xf32>
    %mul3A_151 = arith.mulf %mul3A_150, %add3A_53 : vector<512x128xf32>
    %div3A_152 = arith.divf %exp3A_148, %add3A_149 : vector<512x1xf32>
    %mul3A_153 = vector.broadcast %div3A_152 : vector<512x1xf32> to vector<512x128xf32>
    %mul3A_154 = arith.mulf %mul3A_153, %add3A_109 : vector<512x128xf32>
    %add3A_155 = arith.addf %mul3A_151, %mul3A_154 : vector<512x128xf32>
    %swap3A = arith.constant 0 : index
    %swap3A_156 = arith.constant 0 : index
    %swap3A_157 = vector.load %arg25[%swap3A, %swap3A_156] : memref<512x128xf32, #tpu.memory_space<vmem>>, vector<512x128xf32>
    tpu.vector_store %arg25[%swap3A, %swap3A_156], %add3A_155 {strides = array<i32>} : memref<512x128xf32, #tpu.memory_space<vmem>>, vector<512x128xf32>,
    %get3A_158 = arith.constant 0 : index
    %get3A_159 = arith.constant 0 : index
    %get3A_160 = arith.constant 0 : index
    %get3A_161 = vector.load %arg31[%get3A_158, %get3A_159, %get3A_160] : memref<3x1x8192xf32, #tpu.memory_space<vmem>>, vector<1x1x8192xf32>
    %get3A_162 = vector.shape_cast %get3A_161 : vector<1x1x8192xf32> to vector<1x8192xf32>
    %get3A_163 = arith.constant 0 : index
    %get3A_164 = arith.constant 0 : index
    %get3A_165 = arith.constant 0 : index
    %get3A_166 = vector.load %arg22[%get3A_163, %get3A_164, %get3A_165] : memref<3x8192x128xbf16, #tpu.memory_space<vmem>>, vector<1x8192x128xbf16>
    %get3A_167 = vector.shape_cast %get3A_166 : vector<1x8192x128xbf16> to vector<8192x128xbf16>
    %mul3A_168 = arith.constant -2.000000e+00 : f32
    %mul3A_169 = vector.broadcast %mul3A_168 : f32 to vector<512x128xf32>
    %mul3A_170 = arith.mulf %add3A_155, %mul3A_169 : vector<512x128xf32>
    %convert_element_type3A_171 = arith.truncf %mul3A_170 : vector<512x128xf32> to vector<512x128xbf16>
    %dot_general3A_172 = arith.constant dense<0.000000e+00> : vector<512x8192xf32>
    %dot_general3A_173 = tpu.matmul %convert_element_type3A_171, %get3A_167, %dot_general3A_172 {dimension_numbers = #tpu.dot_dimension_numbers<[1], [1], [0], [0], [0, 0, 1, 0], [], []>, transpose_lhs_hint = false} : vector<512x128xbf16>, vector<8192x128xbf16>, vector<512x8192xf32> -> vector<512x8192xf32>
    %add3A_174 = vector.broadcast %get3A_162 : vector<1x8192xf32> to vector<512x8192xf32>
    %add3A_175 = arith.addf %add3A_174, %dot_general3A_173 : vector<512x8192xf32>
    %reduce_min3A = arith.constant dense<0x7F800000> : vector<512xf32>
    %reduce_min3A_176 = vector.multi_reduction <minimumf>, %add3A_175, %reduce_min3A [1] : vector<512x8192xf32> to vector<512xf32>
    %broadcast_in_dim3A_177 = vector.shape_cast %reduce_min3A_176 : vector<512xf32> to vector<512x1xf32>
    %iota3A = tpu.iota {dimensions = array<i32: 1>} : vector<512x8192xi32>
    %eq3A_178 = vector.broadcast %broadcast_in_dim3A_177 : vector<512x1xf32> to vector<512x8192xf32>
    %eq3A_179 = arith.cmpf oeq, %add3A_175, %eq3A_178 : vector<512x8192xf32>
    %jit3A = arith.constant -1 : i32
    %broadcast_in_dim3A_180 = vector.broadcast %jit3A : i32 to vector<512x8192xi32>
    %select_n3A = arith.select %eq3A_179, %iota3A, %broadcast_in_dim3A_180 : vector<512x8192xi1>, vector<512x8192xi32>
    %reduce_max3A = arith.constant dense<-2147483648> : vector<512xi32>
    %reduce_max3A_181 = vector.multi_reduction <maxsi>, %select_n3A, %reduce_max3A [1] : vector<512x8192xi32> to vector<512xi32>
    %broadcast_in_dim3A_182 = vector.shape_cast %reduce_max3A_181 : vector<512xi32> to vector<512x1xi32>
    %swap3A_183 = arith.constant 0 : index
    %swap3A_184 = arith.constant 0 : index
    %swap3A_185 = vector.load %arg26[%swap3A_183, %swap3A_184] : memref<512x1xi32, #tpu.memory_space<vmem>>, vector<512x1xi32>
    tpu.vector_store %arg26[%swap3A_183, %swap3A_184], %broadcast_in_dim3A_182 {strides = array<i32>} : memref<512x1xi32, #tpu.memory_space<vmem>>, vector<512x1xi32>,
    %get3A_186 = arith.constant 0 : index
    %get3A_187 = arith.constant 0 : index
    %get3A_188 = vector.load %arg23[%get3A_186, %get3A_187] : memref<128x128xbf16, #tpu.memory_space<vmem>>, vector<128x128xbf16>
    %convert_element_type3A_189 = arith.truncf %add3A_53 : vector<512x128xf32> to vector<512x128xbf16>
    %dot_general3A_190 = arith.constant dense<0.000000e+00> : vector<512x128xf32>
    %dot_general3A_191 = tpu.matmul %convert_element_type3A_189, %get3A_188, %dot_general3A_190 {dimension_numbers = #tpu.dot_dimension_numbers<[1], [0], [0], [1], [0, 0, 1, 1], [], []>, transpose_lhs_hint = false} : vector<512x128xbf16>, vector<128x128xbf16>, vector<512x128xf32> -> vector<512x128xf32>
    %get3A_192 = arith.constant 0 : index
    %get3A_193 = arith.constant 0 : index
    %get3A_194 = vector.load %arg24[%get3A_192, %get3A_193] : memref<1x128xf32, #tpu.memory_space<vmem>>, vector<1x128xf32>
    %add3A_195 = vector.broadcast %get3A_194 : vector<1x128xf32> to vector<512x128xf32>
    %add3A_196 = arith.addf %dot_general3A_191, %add3A_195 : vector<512x128xf32>
    %mul3A_197 = arith.mulf %add3A_196, %add3A_196 : vector<512x128xf32>
    %reduce_sum3A_198 = arith.constant dense<0.000000e+00> : vector<512xf32>
    %reduce_sum3A_199 = vector.multi_reduction <add>, %mul3A_197, %reduce_sum3A_198 [1] : vector<512x128xf32> to vector<512xf32>
    %broadcast_in_dim3A_200 = vector.shape_cast %reduce_sum3A_199 : vector<512xf32> to vector<512x1xf32>
    %sqrt3A = math.sqrt %broadcast_in_dim3A_200 : vector<512x1xf32>
    %max3A_201 = arith.constant 9.99999996E-13 : f32
    %max3A_202 = vector.broadcast %max3A_201 : f32 to vector<512x1xf32>
    %max3A_203 = arith.maximumf %sqrt3A, %max3A_202 : vector<512x1xf32>
    %div3A_204 = vector.broadcast %max3A_203 : vector<512x1xf32> to vector<512x128xf32>
    %div3A_205 = arith.divf %add3A_196, %div3A_204 : vector<512x128xf32>
    %swap3A_206 = arith.constant 0 : index
    %swap3A_207 = arith.constant 0 : index
    %swap3A_208 = vector.load %arg27[%swap3A_206, %swap3A_207] : memref<512x128xf32, #tpu.memory_space<vmem>>, vector<512x128xf32>
    tpu.vector_store %arg27[%swap3A_206, %swap3A_207], %div3A_205 {strides = array<i32>} : memref<512x128xf32, #tpu.memory_space<vmem>>, vector<512x128xf32>,
    %get3A_209 = arith.constant 0 : index
    %get3A_210 = arith.constant 0 : index
    %get3A_211 = vector.load %arg23[%get3A_209, %get3A_210] : memref<128x128xbf16, #tpu.memory_space<vmem>>, vector<128x128xbf16>
    %convert_element_type3A_212 = arith.truncf %add3A_109 : vector<512x128xf32> to vector<512x128xbf16>
    %dot_general3A_213 = arith.constant dense<0.000000e+00> : vector<512x128xf32>
    %dot_general3A_214 = tpu.matmul %convert_element_type3A_212, %get3A_211, %dot_general3A_213 {dimension_numbers = #tpu.dot_dimension_numbers<[1], [0], [0], [1], [0, 0, 1, 1], [], []>, transpose_lhs_hint = false} : vector<512x128xbf16>, vector<128x128xbf16>, vector<512x128xf32> -> vector<512x128xf32>
    %get3A_215 = arith.constant 0 : index
    %get3A_216 = arith.constant 0 : index
    %get3A_217 = vector.load %arg24[%get3A_215, %get3A_216] : memref<1x128xf32, #tpu.memory_space<vmem>>, vector<1x128xf32>
    %add3A_218 = vector.broadcast %get3A_217 : vector<1x128xf32> to vector<512x128xf32>
    %add3A_219 = arith.addf %dot_general3A_214, %add3A_218 : vector<512x128xf32>
    %mul3A_220 = arith.mulf %add3A_219, %add3A_219 : vector<512x128xf32>
    %reduce_sum3A_221 = arith.constant dense<0.000000e+00> : vector<512xf32>
    %reduce_sum3A_222 = vector.multi_reduction <add>, %mul3A_220, %reduce_sum3A_221 [1] : vector<512x128xf32> to vector<512xf32>
    %broadcast_in_dim3A_223 = vector.shape_cast %reduce_sum3A_222 : vector<512xf32> to vector<512x1xf32>
    %sqrt3A_224 = math.sqrt %broadcast_in_dim3A_223 : vector<512x1xf32>
    %max3A_225 = arith.constant 9.99999996E-13 : f32
    %max3A_226 = vector.broadcast %max3A_225 : f32 to vector<512x1xf32>
    %max3A_227 = arith.maximumf %sqrt3A_224, %max3A_226 : vector<512x1xf32>
    %div3A_228 = vector.broadcast %max3A_227 : vector<512x1xf32> to vector<512x128xf32>
    %div3A_229 = arith.divf %add3A_219, %div3A_228 : vector<512x128xf32>
    %swap3A_230 = arith.constant 0 : index
    %swap3A_231 = arith.constant 0 : index
    %swap3A_232 = vector.load %arg28[%swap3A_230, %swap3A_231] : memref<512x128xf32, #tpu.memory_space<vmem>>, vector<512x128xf32>
    tpu.vector_store %arg28[%swap3A_230, %swap3A_231], %div3A_229 {strides = array<i32>} : memref<512x128xf32, #tpu.memory_space<vmem>>, vector<512x128xf32>,
    return
  }
  func.func @transform_0(%arg0: i32) -> (i32, i32) {
    %c0_i32 = arith.constant 0 : i32
    %c0_i32_0 = arith.constant 0 : i32
    return %arg0, %c0_i32 : i32, i32
  }
  func.func @transform_1(%arg0: i32) -> (i32, i32) {
    %c0_i32 = arith.constant 0 : i32
    %c0_i32_0 = arith.constant 0 : i32
    return %arg0, %c0_i32 : i32, i32
  }
  func.func @transform_2(%arg0: i32) -> (i32, i32) {
    %c0_i32 = arith.constant 0 : i32
    %c0_i32_0 = arith.constant 0 : i32
    %c0_i32_1 = arith.constant 0 : i32
    return %c0_i32, %c0_i32_0 : i32, i32
  }
  func.func @transform_3(%arg0: i32) -> (i32, i32) {
    %c0_i32 = arith.constant 0 : i32
    %c0_i32_0 = arith.constant 0 : i32
    %c0_i32_1 = arith.constant 0 : i32
    return %c0_i32, %c0_i32_0 : i32, i32
  }
  func.func @transform_4(%arg0: i32) -> (i32, i32) {
    %c0_i32 = arith.constant 0 : i32
    %c0_i32_0 = arith.constant 0 : i32
    %c0_i32_1 = arith.constant 0 : i32
    return %c0_i32, %c0_i32_0 : i32, i32
  }
  func.func @transform_5(%arg0: i32) -> (i32, i32) {
    %c0_i32 = arith.constant 0 : i32
    %c0_i32_0 = arith.constant 0 : i32
    %c0_i32_1 = arith.constant 0 : i32
    return %c0_i32, %c0_i32_0 : i32, i32
  }
  func.func @transform_6(%arg0: i32) -> (i32, i32) {
    %c0_i32 = arith.constant 0 : i32
    %c0_i32_0 = arith.constant 0 : i32
    %c0_i32_1 = arith.constant 0 : i32
    return %c0_i32, %c0_i32_0 : i32, i32
  }
  func.func @transform_7(%arg0: i32) -> (i32, i32) {
    %c0_i32 = arith.constant 0 : i32
    %c0_i32_0 = arith.constant 0 : i32
    %c0_i32_1 = arith.constant 0 : i32
    return %c0_i32, %c0_i32_0 : i32, i32
  }
  func.func @transform_8(%arg0: i32) -> (i32, i32) {
    %c0_i32 = arith.constant 0 : i32
    %c0_i32_0 = arith.constant 0 : i32
    %c0_i32_1 = arith.constant 0 : i32
    return %c0_i32, %c0_i32_0 : i32, i32
  }
  func.func @transform_9(%arg0: i32) -> (i32, i32) {
    %c0_i32 = arith.constant 0 : i32
    %c0_i32_0 = arith.constant 0 : i32
    %c0_i32_1 = arith.constant 0 : i32
    return %c0_i32, %c0_i32_0 : i32, i32
  }
  func.func @transform_10(%arg0: i32) -> (i32, i32) {
    %c0_i32 = arith.constant 0 : i32
    %c0_i32_0 = arith.constant 0 : i32
    %c0_i32_1 = arith.constant 0 : i32
    return %c0_i32, %c0_i32_0 : i32, i32
  }
  func.func @transform_11(%arg0: i32) -> (i32, i32) {
    %c0_i32 = arith.constant 0 : i32
    %c0_i32_0 = arith.constant 0 : i32
    %c0_i32_1 = arith.constant 0 : i32
    return %c0_i32, %c0_i32_0 : i32, i32
  }
  func.func @transform_12(%arg0: i32) -> (i32, i32) {
    %c0_i32 = arith.constant 0 : i32
    %c0_i32_0 = arith.constant 0 : i32
    %c0_i32_1 = arith.constant 0 : i32
    return %c0_i32, %c0_i32_0 : i32, i32
  }
  func.func @transform_13(%arg0: i32) -> (i32, i32) {
    %c0_i32 = arith.constant 0 : i32
    %c0_i32_0 = arith.constant 0 : i32
    %c0_i32_1 = arith.constant 0 : i32
    return %c0_i32, %c0_i32_0 : i32, i32
  }
  func.func @transform_14(%arg0: i32) -> (i32, i32) {
    %c0_i32 = arith.constant 0 : i32
    %c0_i32_0 = arith.constant 0 : i32
    %c0_i32_1 = arith.constant 0 : i32
    return %c0_i32, %c0_i32_0 : i32, i32
  }
  func.func @transform_15(%arg0: i32) -> (i32, i32) {
    %c0_i32 = arith.constant 0 : i32
    %c0_i32_0 = arith.constant 0 : i32
    %c0_i32_1 = arith.constant 0 : i32
    return %c0_i32, %c0_i32_0 : i32, i32
  }
  func.func @transform_16(%arg0: i32) -> (i32, i32) {
    %c0_i32 = arith.constant 0 : i32
    %c0_i32_0 = arith.constant 0 : i32
    %c0_i32_1 = arith.constant 0 : i32
    return %c0_i32, %c0_i32_0 : i32, i32
  }
  func.func @transform_17(%arg0: i32) -> (i32, i32) {
    %c0_i32 = arith.constant 0 : i32
    %c0_i32_0 = arith.constant 0 : i32
    %c0_i32_1 = arith.constant 0 : i32
    return %c0_i32, %c0_i32_0 : i32, i32
  }
  func.func @transform_18(%arg0: i32) -> (i32, i32) {
    %c0_i32 = arith.constant 0 : i32
    %c0_i32_0 = arith.constant 0 : i32
    %c0_i32_1 = arith.constant 0 : i32
    return %c0_i32, %c0_i32_0 : i32, i32
  }
  func.func @transform_19(%arg0: i32) -> (i32, i32) {
    %c0_i32 = arith.constant 0 : i32
    %c0_i32_0 = arith.constant 0 : i32
    %c0_i32_1 = arith.constant 0 : i32
    return %c0_i32, %c0_i32_0 : i32, i32
  }
  func.func @transform_20(%arg0: i32) -> (i32, i32) {
    %c0_i32 = arith.constant 0 : i32
    %c0_i32_0 = arith.constant 0 : i32
    %c0_i32_1 = arith.constant 0 : i32
    return %c0_i32, %c0_i32_0 : i32, i32
  }
  func.func @transform_21(%arg0: i32) -> (i32, i32, i32) {
    %c0_i32 = arith.constant 0 : i32
    %c0_i32_0 = arith.constant 0 : i32
    %c0_i32_1 = arith.constant 0 : i32
    %c0_i32_2 = arith.constant 0 : i32
    return %c0_i32, %c0_i32_0, %c0_i32_1 : i32, i32, i32
  }
  func.func @transform_22(%arg0: i32) -> (i32, i32) {
    %c0_i32 = arith.constant 0 : i32
    %c0_i32_0 = arith.constant 0 : i32
    %c0_i32_1 = arith.constant 0 : i32
    return %c0_i32, %c0_i32_0 : i32, i32
  }
  func.func @transform_23(%arg0: i32) -> (i32, i32) {
    %c0_i32 = arith.constant 0 : i32
    %c0_i32_0 = arith.constant 0 : i32
    %c0_i32_1 = arith.constant 0 : i32
    return %c0_i32, %c0_i32_0 : i32, i32
  }
  func.func @transform_24(%arg0: i32) -> (i32, i32) {
    %c0_i32 = arith.constant 0 : i32
    %c0_i32_0 = arith.constant 0 : i32
    return %arg0, %c0_i32 : i32, i32
  }
  func.func @transform_25(%arg0: i32) -> (i32, i32) {
    %c0_i32 = arith.constant 0 : i32
    %c0_i32_0 = arith.constant 0 : i32
    return %arg0, %c0_i32 : i32, i32
  }
  func.func @transform_26(%arg0: i32) -> (i32, i32) {
    %c0_i32 = arith.constant 0 : i32
    %c0_i32_0 = arith.constant 0 : i32
    return %arg0, %c0_i32 : i32, i32
  }
  func.func @transform_27(%arg0: i32) -> (i32, i32) {
    %c0_i32 = arith.constant 0 : i32
    %c0_i32_0 = arith.constant 0 : i32
    return %arg0, %c0_i32 : i32, i32
  }
  func.func @transform_28(%arg0: i32) -> (i32, i32, i32) {
    %c0_i32 = arith.constant 0 : i32
    %c0_i32_0 = arith.constant 0 : i32
    %c0_i32_1 = arith.constant 0 : i32
    %c0_i32_2 = arith.constant 0 : i32
    return %c0_i32, %c0_i32_0, %c0_i32_1 : i32, i32, i32
  }
  func.func @transform_29(%arg0: i32) -> (i32, i32) {
    %c0_i32 = arith.constant 0 : i32
    %c0_i32_0 = arith.constant 0 : i32
    %c0_i32_1 = arith.constant 0 : i32
    return %c0_i32, %c0_i32_0 : i32, i32
  }
}

module attributes {stable_mosaic.version = 14 : i64} {
  func.func @_stage_body(%arg0: i32, %arg1: memref<512x128xf32, #tpu.memory_space<vmem>>, %arg2: memref<512x128xf32, #tpu.memory_space<vmem>>, %arg3: memref<1x8192xf32, #tpu.memory_space<vmem>>, %arg4: memref<8192x128xbf16, #tpu.memory_space<vmem>>, %arg5: memref<512x128xf32, #tpu.memory_space<vmem>>, %arg6: memref<512x1xi32, #tpu.memory_space<vmem>>) attributes {dimension_semantics = [#tpu.dimension_semantics<arbitrary>], iteration_bounds = array<i64: 8>, scalar_prefetch = 0 : i64, scratch_operands = 0 : i64, tpu.core_type = #tpu.core_type<tc>, window_params = [{transform_indices = @transform_0, window_bounds = array<i64: 512, 128>}, {transform_indices = @transform_1, window_bounds = array<i64: 512, 128>}, {pipeline_mode = #tpu.pipeline_mode<synchronous>, transform_indices = @transform_2, window_bounds = array<i64: 1, 8192>}, {pipeline_mode = #tpu.pipeline_mode<synchronous>, transform_indices = @transform_3, window_bounds = array<i64: 8192, 128>}, {transform_indices = @transform_4, window_bounds = array<i64: 512, 128>}, {transform_indices = @transform_5, window_bounds = array<i64: 512, 1>}]} {
    %get3A = arith.constant 0 : index
    %get3A_0 = arith.constant 0 : index
    %get3A_1 = vector.load %arg1[%get3A, %get3A_0] : memref<512x128xf32, #tpu.memory_space<vmem>>, vector<512x128xf32>
    %get3A_2 = arith.constant 0 : index
    %get3A_3 = arith.constant 0 : index
    %get3A_4 = vector.load %arg2[%get3A_2, %get3A_3] : memref<512x128xf32, #tpu.memory_space<vmem>>, vector<512x128xf32>
    %sub3A = arith.subf %get3A_1, %get3A_4 : vector<512x128xf32>
    %swap3A = arith.constant 0 : index
    %swap3A_5 = arith.constant 0 : index
    %swap3A_6 = vector.load %arg5[%swap3A, %swap3A_5] : memref<512x128xf32, #tpu.memory_space<vmem>>, vector<512x128xf32>
    tpu.vector_store %arg5[%swap3A, %swap3A_5], %sub3A {strides = array<i32>} : memref<512x128xf32, #tpu.memory_space<vmem>>, vector<512x128xf32>,
    %get3A_7 = arith.constant 0 : index
    %get3A_8 = arith.constant 0 : index
    %get3A_9 = vector.load %arg3[%get3A_7, %get3A_8] : memref<1x8192xf32, #tpu.memory_space<vmem>>, vector<1x8192xf32>
    %get3A_10 = arith.constant 0 : index
    %get3A_11 = arith.constant 0 : index
    %get3A_12 = vector.load %arg4[%get3A_10, %get3A_11] : memref<8192x128xbf16, #tpu.memory_space<vmem>>, vector<8192x128xbf16>
    %mul3A = arith.constant -2.000000e+00 : f32
    %mul3A_13 = vector.broadcast %mul3A : f32 to vector<512x128xf32>
    %mul3A_14 = arith.mulf %sub3A, %mul3A_13 : vector<512x128xf32>
    %convert_element_type3A = arith.truncf %mul3A_14 : vector<512x128xf32> to vector<512x128xbf16>
    %dot_general3A = arith.constant dense<0.000000e+00> : vector<512x8192xf32>
    %dot_general3A_15 = tpu.matmul %convert_element_type3A, %get3A_12, %dot_general3A {dimension_numbers = #tpu.dot_dimension_numbers<[1], [1], [0], [0], [0, 0, 1, 0], [], []>, transpose_lhs_hint = false} : vector<512x128xbf16>, vector<8192x128xbf16>, vector<512x8192xf32> -> vector<512x8192xf32>
    %add3A = vector.broadcast %get3A_9 : vector<1x8192xf32> to vector<512x8192xf32>
    %add3A_16 = arith.addf %add3A, %dot_general3A_15 : vector<512x8192xf32>
    %reduce_min3A = arith.constant dense<0x7F800000> : vector<512xf32>
    %reduce_min3A_17 = vector.multi_reduction <minimumf>, %add3A_16, %reduce_min3A [1] : vector<512x8192xf32> to vector<512xf32>
    %broadcast_in_dim3A = vector.shape_cast %reduce_min3A_17 : vector<512xf32> to vector<512x1xf32>
    %iota3A = tpu.iota {dimensions = array<i32: 1>} : vector<512x8192xi32>
    %eq3A = vector.broadcast %broadcast_in_dim3A : vector<512x1xf32> to vector<512x8192xf32>
    %eq3A_18 = arith.cmpf oeq, %add3A_16, %eq3A : vector<512x8192xf32>
    %jit3A = arith.constant -1 : i32
    %broadcast_in_dim3A_19 = vector.broadcast %jit3A : i32 to vector<512x8192xi32>
    %select_n3A = arith.select %eq3A_18, %iota3A, %broadcast_in_dim3A_19 : vector<512x8192xi1>, vector<512x8192xi32>
    %reduce_max3A = arith.constant dense<-2147483648> : vector<512xi32>
    %reduce_max3A_20 = vector.multi_reduction <maxsi>, %select_n3A, %reduce_max3A [1] : vector<512x8192xi32> to vector<512xi32>
    %broadcast_in_dim3A_21 = vector.shape_cast %reduce_max3A_20 : vector<512xi32> to vector<512x1xi32>
    %swap3A_22 = arith.constant 0 : index
    %swap3A_23 = arith.constant 0 : index
    %swap3A_24 = vector.load %arg6[%swap3A_22, %swap3A_23] : memref<512x1xi32, #tpu.memory_space<vmem>>, vector<512x1xi32>
    tpu.vector_store %arg6[%swap3A_22, %swap3A_23], %broadcast_in_dim3A_21 {strides = array<i32>} : memref<512x1xi32, #tpu.memory_space<vmem>>, vector<512x1xi32>,
    return
  }
  func.func @transform_0(%arg0: i32) -> (i32, i32) {
    %c0_i32 = arith.constant 0 : i32
    %c0_i32_0 = arith.constant 0 : i32
    return %arg0, %c0_i32 : i32, i32
  }
  func.func @transform_1(%arg0: i32) -> (i32, i32) {
    %c0_i32 = arith.constant 0 : i32
    %c0_i32_0 = arith.constant 0 : i32
    return %arg0, %c0_i32 : i32, i32
  }
  func.func @transform_2(%arg0: i32) -> (i32, i32) {
    %c0_i32 = arith.constant 0 : i32
    %c0_i32_0 = arith.constant 0 : i32
    %c0_i32_1 = arith.constant 0 : i32
    return %c0_i32, %c0_i32_0 : i32, i32
  }
  func.func @transform_3(%arg0: i32) -> (i32, i32) {
    %c0_i32 = arith.constant 0 : i32
    %c0_i32_0 = arith.constant 0 : i32
    %c0_i32_1 = arith.constant 0 : i32
    return %c0_i32, %c0_i32_0 : i32, i32
  }
  func.func @transform_4(%arg0: i32) -> (i32, i32) {
    %c0_i32 = arith.constant 0 : i32
    %c0_i32_0 = arith.constant 0 : i32
    return %arg0, %c0_i32 : i32, i32
  }
  func.func @transform_5(%arg0: i32) -> (i32, i32) {
    %c0_i32 = arith.constant 0 : i32
    %c0_i32_0 = arith.constant 0 : i32
    return %arg0, %c0_i32 : i32, i32
  }
}

module attributes {stable_mosaic.version = 14 : i64} {
  func.func @_proj_body(%arg0: i32, %arg1: memref<512x128xf32, #tpu.memory_space<vmem>>, %arg2: memref<512x128xf32, #tpu.memory_space<vmem>>, %arg3: memref<512x128xf32, #tpu.memory_space<vmem>>, %arg4: memref<128x128xbf16, #tpu.memory_space<vmem>>, %arg5: memref<1x128xf32, #tpu.memory_space<vmem>>, %arg6: memref<512x128xf32, #tpu.memory_space<vmem>>) attributes {dimension_semantics = [#tpu.dimension_semantics<arbitrary>], iteration_bounds = array<i64: 8>, scalar_prefetch = 0 : i64, scratch_operands = 0 : i64, tpu.core_type = #tpu.core_type<tc>, window_params = [{transform_indices = @transform_0, window_bounds = array<i64: 512, 128>}, {transform_indices = @transform_1, window_bounds = array<i64: 512, 128>}, {transform_indices = @transform_2, window_bounds = array<i64: 512, 128>}, {pipeline_mode = #tpu.pipeline_mode<synchronous>, transform_indices = @transform_3, window_bounds = array<i64: 128, 128>}, {pipeline_mode = #tpu.pipeline_mode<synchronous>, transform_indices = @transform_4, window_bounds = array<i64: 1, 128>}, {transform_indices = @transform_5, window_bounds = array<i64: 512, 128>}]} {
    %get3A = arith.constant 0 : index
    %get3A_0 = arith.constant 0 : index
    %get3A_1 = vector.load %arg1[%get3A, %get3A_0] : memref<512x128xf32, #tpu.memory_space<vmem>>, vector<512x128xf32>
    %get3A_2 = arith.constant 0 : index
    %get3A_3 = arith.constant 0 : index
    %get3A_4 = vector.load %arg2[%get3A_2, %get3A_3] : memref<512x128xf32, #tpu.memory_space<vmem>>, vector<512x128xf32>
    %sub3A = arith.subf %get3A_1, %get3A_4 : vector<512x128xf32>
    %get3A_5 = arith.constant 0 : index
    %get3A_6 = arith.constant 0 : index
    %get3A_7 = vector.load %arg3[%get3A_5, %get3A_6] : memref<512x128xf32, #tpu.memory_space<vmem>>, vector<512x128xf32>
    %add3A = arith.addf %sub3A, %get3A_7 : vector<512x128xf32>
    %get3A_8 = arith.constant 0 : index
    %get3A_9 = arith.constant 0 : index
    %get3A_10 = vector.load %arg4[%get3A_8, %get3A_9] : memref<128x128xbf16, #tpu.memory_space<vmem>>, vector<128x128xbf16>
    %convert_element_type3A = arith.truncf %add3A : vector<512x128xf32> to vector<512x128xbf16>
    %dot_general3A = arith.constant dense<0.000000e+00> : vector<512x128xf32>
    %dot_general3A_11 = tpu.matmul %convert_element_type3A, %get3A_10, %dot_general3A {dimension_numbers = #tpu.dot_dimension_numbers<[1], [0], [0], [1], [0, 0, 1, 1], [], []>, transpose_lhs_hint = false} : vector<512x128xbf16>, vector<128x128xbf16>, vector<512x128xf32> -> vector<512x128xf32>
    %get3A_12 = arith.constant 0 : index
    %get3A_13 = arith.constant 0 : index
    %get3A_14 = vector.load %arg5[%get3A_12, %get3A_13] : memref<1x128xf32, #tpu.memory_space<vmem>>, vector<1x128xf32>
    %add3A_15 = vector.broadcast %get3A_14 : vector<1x128xf32> to vector<512x128xf32>
    %add3A_16 = arith.addf %dot_general3A_11, %add3A_15 : vector<512x128xf32>
    %mul3A = arith.mulf %add3A_16, %add3A_16 : vector<512x128xf32>
    %reduce_sum3A = arith.constant dense<0.000000e+00> : vector<512xf32>
    %reduce_sum3A_17 = vector.multi_reduction <add>, %mul3A, %reduce_sum3A [1] : vector<512x128xf32> to vector<512xf32>
    %broadcast_in_dim3A = vector.shape_cast %reduce_sum3A_17 : vector<512xf32> to vector<512x1xf32>
    %sqrt3A = math.sqrt %broadcast_in_dim3A : vector<512x1xf32>
    %max3A = arith.constant 9.99999996E-13 : f32
    %max3A_18 = vector.broadcast %max3A : f32 to vector<512x1xf32>
    %max3A_19 = arith.maximumf %sqrt3A, %max3A_18 : vector<512x1xf32>
    %div3A = vector.broadcast %max3A_19 : vector<512x1xf32> to vector<512x128xf32>
    %div3A_20 = arith.divf %add3A_16, %div3A : vector<512x128xf32>
    %swap3A = arith.constant 0 : index
    %swap3A_21 = arith.constant 0 : index
    %swap3A_22 = vector.load %arg6[%swap3A, %swap3A_21] : memref<512x128xf32, #tpu.memory_space<vmem>>, vector<512x128xf32>
    tpu.vector_store %arg6[%swap3A, %swap3A_21], %div3A_20 {strides = array<i32>} : memref<512x128xf32, #tpu.memory_space<vmem>>, vector<512x128xf32>,
    return
  }
  func.func @transform_0(%arg0: i32) -> (i32, i32) {
    %c0_i32 = arith.constant 0 : i32
    %c0_i32_0 = arith.constant 0 : i32
    return %arg0, %c0_i32 : i32, i32
  }
  func.func @transform_1(%arg0: i32) -> (i32, i32) {
    %c0_i32 = arith.constant 0 : i32
    %c0_i32_0 = arith.constant 0 : i32
    return %arg0, %c0_i32 : i32, i32
  }
  func.func @transform_2(%arg0: i32) -> (i32, i32) {
    %c0_i32 = arith.constant 0 : i32
    %c0_i32_0 = arith.constant 0 : i32
    return %arg0, %c0_i32 : i32, i32
  }
  func.func @transform_3(%arg0: i32) -> (i32, i32) {
    %c0_i32 = arith.constant 0 : i32
    %c0_i32_0 = arith.constant 0 : i32
    %c0_i32_1 = arith.constant 0 : i32
    return %c0_i32, %c0_i32_0 : i32, i32
  }
  func.func @transform_4(%arg0: i32) -> (i32, i32) {
    %c0_i32 = arith.constant 0 : i32
    %c0_i32_0 = arith.constant 0 : i32
    %c0_i32_1 = arith.constant 0 : i32
    return %c0_i32, %c0_i32_0 : i32, i32
  }
  func.func @transform_5(%arg0: i32) -> (i32, i32) {
    %c0_i32 = arith.constant 0 : i32
    %c0_i32_0 = arith.constant 0 : i32
    return %arg0, %c0_i32 : i32, i32
  }
}

module attributes {stable_mosaic.version = 14 : i64} {
  func.func @_contrastive_body(%arg0: i32, %arg1: memref<512x128xf32, #tpu.memory_space<vmem>>, %arg2: memref<512x128xf32, #tpu.memory_space<vmem>>, %arg3: memref<512x128xf32, #tpu.memory_space<vmem>>, %arg4: memref<4096x128xbf16, #tpu.memory_space<vmem>>, %arg5: memref<4096x128xbf16, #tpu.memory_space<vmem>>, %arg6: memref<4096x128xbf16, #tpu.memory_space<vmem>>, %arg7: memref<1x128xf32, #tpu.memory_space<vmem>>) attributes {dimension_semantics = [#tpu.dimension_semantics<arbitrary>], iteration_bounds = array<i64: 8>, scalar_prefetch = 0 : i64, scratch_operands = 0 : i64, tpu.core_type = #tpu.core_type<tc>, window_params = [{transform_indices = @transform_0, window_bounds = array<i64: 512, 128>}, {transform_indices = @transform_1, window_bounds = array<i64: 512, 128>}, {transform_indices = @transform_2, window_bounds = array<i64: 512, 128>}, {pipeline_mode = #tpu.pipeline_mode<synchronous>, transform_indices = @transform_3, window_bounds = array<i64: 4096, 128>}, {pipeline_mode = #tpu.pipeline_mode<synchronous>, transform_indices = @transform_4, window_bounds = array<i64: 4096, 128>}, {pipeline_mode = #tpu.pipeline_mode<synchronous>, transform_indices = @transform_5, window_bounds = array<i64: 4096, 128>}, {pipeline_mode = #tpu.pipeline_mode<synchronous>, transform_indices = @transform_6, window_bounds = array<i64: 1, 128>}]} {
    %get3A = arith.constant 0 : index
    %get3A_0 = arith.constant 0 : index
    %get3A_1 = vector.load %arg1[%get3A, %get3A_0] : memref<512x128xf32, #tpu.memory_space<vmem>>, vector<512x128xf32>
    %convert_element_type3A = arith.truncf %get3A_1 : vector<512x128xf32> to vector<512x128xbf16>
    %get3A_2 = arith.constant 0 : index
    %get3A_3 = arith.constant 0 : index
    %get3A_4 = vector.load %arg4[%get3A_2, %get3A_3] : memref<4096x128xbf16, #tpu.memory_space<vmem>>, vector<4096x128xbf16>
    %dot_general3A = arith.constant dense<0.000000e+00> : vector<512x4096xf32>
    %dot_general3A_5 = tpu.matmul %convert_element_type3A, %get3A_4, %dot_general3A {dimension_numbers = #tpu.dot_dimension_numbers<[1], [1], [0], [0], [0, 0, 1, 0], [], []>, transpose_lhs_hint = false} : vector<512x128xbf16>, vector<4096x128xbf16>, vector<512x4096xf32> -> vector<512x4096xf32>
    %mul3A = arith.constant 1.000000e+01 : f32
    %mul3A_6 = vector.broadcast %mul3A : f32 to vector<512x4096xf32>
    %mul3A_7 = arith.mulf %dot_general3A_5, %mul3A_6 : vector<512x4096xf32>
    %exp3A = math.exp %mul3A_7 : vector<512x4096xf32>
    %reduce_sum3A = arith.constant dense<0.000000e+00> : vector<512xf32>
    %reduce_sum3A_8 = vector.multi_reduction <add>, %exp3A, %reduce_sum3A [1] : vector<512x4096xf32> to vector<512xf32>
    %broadcast_in_dim3A = vector.shape_cast %reduce_sum3A_8 : vector<512xf32> to vector<512x1xf32>
    %get3A_9 = arith.constant 0 : index
    %get3A_10 = arith.constant 0 : index
    %get3A_11 = vector.load %arg5[%get3A_9, %get3A_10] : memref<4096x128xbf16, #tpu.memory_space<vmem>>, vector<4096x128xbf16>
    %dot_general3A_12 = arith.constant dense<0.000000e+00> : vector<512x4096xf32>
    %dot_general3A_13 = tpu.matmul %convert_element_type3A, %get3A_11, %dot_general3A_12 {dimension_numbers = #tpu.dot_dimension_numbers<[1], [1], [0], [0], [0, 0, 1, 0], [], []>, transpose_lhs_hint = false} : vector<512x128xbf16>, vector<4096x128xbf16>, vector<512x4096xf32> -> vector<512x4096xf32>
    %mul3A_14 = arith.constant 1.000000e+01 : f32
    %mul3A_15 = vector.broadcast %mul3A_14 : f32 to vector<512x4096xf32>
    %mul3A_16 = arith.mulf %dot_general3A_13, %mul3A_15 : vector<512x4096xf32>
    %exp3A_17 = math.exp %mul3A_16 : vector<512x4096xf32>
    %reduce_sum3A_18 = arith.constant dense<0.000000e+00> : vector<512xf32>
    %reduce_sum3A_19 = vector.multi_reduction <add>, %exp3A_17, %reduce_sum3A_18 [1] : vector<512x4096xf32> to vector<512xf32>
    %broadcast_in_dim3A_20 = vector.shape_cast %reduce_sum3A_19 : vector<512xf32> to vector<512x1xf32>
    %get3A_21 = arith.constant 0 : index
    %get3A_22 = arith.constant 0 : index
    %get3A_23 = vector.load %arg6[%get3A_21, %get3A_22] : memref<4096x128xbf16, #tpu.memory_space<vmem>>, vector<4096x128xbf16>
    %dot_general3A_24 = arith.constant dense<0.000000e+00> : vector<512x4096xf32>
    %dot_general3A_25 = tpu.matmul %convert_element_type3A, %get3A_23, %dot_general3A_24 {dimension_numbers = #tpu.dot_dimension_numbers<[1], [1], [0], [0], [0, 0, 1, 0], [], []>, transpose_lhs_hint = false} : vector<512x128xbf16>, vector<4096x128xbf16>, vector<512x4096xf32> -> vector<512x4096xf32>
    %mul3A_26 = arith.constant 1.000000e+01 : f32
    %mul3A_27 = vector.broadcast %mul3A_26 : f32 to vector<512x4096xf32>
    %mul3A_28 = arith.mulf %dot_general3A_25, %mul3A_27 : vector<512x4096xf32>
    %exp3A_29 = math.exp %mul3A_28 : vector<512x4096xf32>
    %reduce_sum3A_30 = arith.constant dense<0.000000e+00> : vector<512xf32>
    %reduce_sum3A_31 = vector.multi_reduction <add>, %exp3A_29, %reduce_sum3A_30 [1] : vector<512x4096xf32> to vector<512xf32>
    %broadcast_in_dim3A_32 = vector.shape_cast %reduce_sum3A_31 : vector<512xf32> to vector<512x1xf32>
    %mul3A_33 = arith.mulf %get3A_1, %get3A_1 : vector<512x128xf32>
    %reduce_sum3A_34 = arith.constant dense<0.000000e+00> : vector<512xf32>
    %reduce_sum3A_35 = vector.multi_reduction <add>, %mul3A_33, %reduce_sum3A_34 [1] : vector<512x128xf32> to vector<512xf32>
    %broadcast_in_dim3A_36 = vector.shape_cast %reduce_sum3A_35 : vector<512xf32> to vector<512x1xf32>
    %get3A_37 = arith.constant 0 : index
    %get3A_38 = arith.constant 0 : index
    %get3A_39 = vector.load %arg2[%get3A_37, %get3A_38] : memref<512x128xf32, #tpu.memory_space<vmem>>, vector<512x128xf32>
    %mul3A_40 = arith.mulf %get3A_1, %get3A_39 : vector<512x128xf32>
    %reduce_sum3A_41 = arith.constant dense<0.000000e+00> : vector<512xf32>
    %reduce_sum3A_42 = vector.multi_reduction <add>, %mul3A_40, %reduce_sum3A_41 [1] : vector<512x128xf32> to vector<512xf32>
    %broadcast_in_dim3A_43 = vector.shape_cast %reduce_sum3A_42 : vector<512xf32> to vector<512x1xf32>
    %get3A_44 = arith.constant 0 : index
    %get3A_45 = arith.constant 0 : index
    %get3A_46 = vector.load %arg3[%get3A_44, %get3A_45] : memref<512x128xf32, #tpu.memory_space<vmem>>, vector<512x128xf32>
    %mul3A_47 = arith.mulf %get3A_1, %get3A_46 : vector<512x128xf32>
    %reduce_sum3A_48 = arith.constant dense<0.000000e+00> : vector<512xf32>
    %reduce_sum3A_49 = vector.multi_reduction <add>, %mul3A_47, %reduce_sum3A_48 [1] : vector<512x128xf32> to vector<512xf32>
    %broadcast_in_dim3A_50 = vector.shape_cast %reduce_sum3A_49 : vector<512xf32> to vector<512x1xf32>
    %mul3A_51 = arith.constant 1.000000e+01 : f32
    %mul3A_52 = vector.broadcast %mul3A_51 : f32 to vector<512x1xf32>
    %mul3A_53 = arith.mulf %broadcast_in_dim3A_36, %mul3A_52 : vector<512x1xf32>
    %exp3A_54 = math.exp %mul3A_53 : vector<512x1xf32>
    %add3A = arith.addf %broadcast_in_dim3A, %broadcast_in_dim3A_20 : vector<512x1xf32>
    %sub3A = arith.subf %add3A, %exp3A_54 : vector<512x1xf32>
    %log3A = math.log %sub3A : vector<512x1xf32>
    %mul3A_55 = arith.constant 1.000000e+01 : f32
    %mul3A_56 = vector.broadcast %mul3A_55 : f32 to vector<512x1xf32>
    %mul3A_57 = arith.mulf %broadcast_in_dim3A_43, %mul3A_56 : vector<512x1xf32>
    %sub3A_58 = arith.subf %log3A, %mul3A_57 : vector<512x1xf32>
    %reduce_sum3A_59 = vector.shape_cast %sub3A_58 : vector<512x1xf32> to vector<1x512x1xf32>
    %reduce_sum3A_60 = arith.constant dense<0.000000e+00> : vector<1xf32>
    %reduce_sum3A_61 = vector.multi_reduction <add>, %reduce_sum3A_59, %reduce_sum3A_60 [1, 2] : vector<1x512x1xf32> to vector<1xf32>
    %reduce_sum3A_62 = vector.shape_cast %reduce_sum3A_61 : vector<1xf32> to vector<1x1x1xf32>
    %reduce_sum3A_63 = vector.extract %reduce_sum3A_62[0, 0, 0] : f32 from vector<1x1x1xf32>
    %add3A_64 = arith.addf %broadcast_in_dim3A, %broadcast_in_dim3A_32 : vector<512x1xf32>
    %sub3A_65 = arith.subf %add3A_64, %exp3A_54 : vector<512x1xf32>
    %log3A_66 = math.log %sub3A_65 : vector<512x1xf32>
    %mul3A_67 = arith.constant 1.000000e+01 : f32
    %mul3A_68 = vector.broadcast %mul3A_67 : f32 to vector<512x1xf32>
    %mul3A_69 = arith.mulf %broadcast_in_dim3A_50, %mul3A_68 : vector<512x1xf32>
    %sub3A_70 = arith.subf %log3A_66, %mul3A_69 : vector<512x1xf32>
    %reduce_sum3A_71 = vector.shape_cast %sub3A_70 : vector<512x1xf32> to vector<1x512x1xf32>
    %reduce_sum3A_72 = arith.constant dense<0.000000e+00> : vector<1xf32>
    %reduce_sum3A_73 = vector.multi_reduction <add>, %reduce_sum3A_71, %reduce_sum3A_72 [1, 2] : vector<1x512x1xf32> to vector<1xf32>
    %reduce_sum3A_74 = vector.shape_cast %reduce_sum3A_73 : vector<1xf32> to vector<1x1x1xf32>
    %reduce_sum3A_75 = vector.extract %reduce_sum3A_74[0, 0, 0] : f32 from vector<1x1x1xf32>
    %iota3A = tpu.iota {dimensions = array<i32: 1>} : vector<1x128xi32>
    %eq3A = arith.constant 0 : i32
    %eq3A_76 = vector.broadcast %eq3A : i32 to vector<1x128xi32>
    %eq3A_77 = arith.cmpi eq, %iota3A, %eq3A_76 : vector<1x128xi32>
    %jit3A = arith.constant 0.000000e+00 : f32
    %broadcast_in_dim3A_78 = vector.broadcast %reduce_sum3A_63 : f32 to vector<1x128xf32>
    %broadcast_in_dim3A_79 = vector.broadcast %jit3A : f32 to vector<1x128xf32>
    %select_n3A = arith.select %eq3A_77, %broadcast_in_dim3A_78, %broadcast_in_dim3A_79 : vector<1x128xi1>, vector<1x128xf32>
    %eq3A_80 = arith.constant 1 : i32
    %eq3A_81 = vector.broadcast %eq3A_80 : i32 to vector<1x128xi32>
    %eq3A_82 = arith.cmpi eq, %iota3A, %eq3A_81 : vector<1x128xi32>
    %jit3A_83 = arith.constant 0.000000e+00 : f32
    %broadcast_in_dim3A_84 = vector.broadcast %reduce_sum3A_75 : f32 to vector<1x128xf32>
    %broadcast_in_dim3A_85 = vector.broadcast %jit3A_83 : f32 to vector<1x128xf32>
    %select_n3A_86 = arith.select %eq3A_82, %broadcast_in_dim3A_84, %broadcast_in_dim3A_85 : vector<1x128xi1>, vector<1x128xf32>
    %add3A_87 = arith.addf %select_n3A, %select_n3A_86 : vector<1x128xf32>
    %eq3A_88 = arith.constant 0 : i32
    %eq3A_89 = arith.cmpi eq, %arg0, %eq3A_88 : i32
    %convert_element_type3A_90 = arith.extui %eq3A_89 : i1 to i32
    %cond3A = arith.constant 0 : i32
    %cond3A_91 = arith.cmpi ne, %convert_element_type3A_90, %cond3A : i32
    scf.if %cond3A_91 {
      %swap3A = arith.constant 0 : index
      %swap3A_96 = arith.constant 0 : index
      %swap3A_97 = vector.load %arg7[%swap3A, %swap3A_96] : memref<1x128xf32, #tpu.memory_space<vmem>>, vector<1x128xf32>
      tpu.vector_store %arg7[%swap3A, %swap3A_96], %add3A_87 {strides = array<i32>} : memref<1x128xf32, #tpu.memory_space<vmem>>, vector<1x128xf32>,
    } else {
    }
    %gt3A = arith.constant 0 : i32
    %gt3A_92 = arith.cmpi sgt, %arg0, %gt3A : i32
    %convert_element_type3A_93 = arith.extui %gt3A_92 : i1 to i32
    %cond3A_94 = arith.constant 0 : i32
    %cond3A_95 = arith.cmpi ne, %convert_element_type3A_93, %cond3A_94 : i32
    scf.if %cond3A_95 {
      %get3A_96 = arith.constant 0 : index
      %get3A_97 = arith.constant 0 : index
      %get3A_98 = vector.load %arg7[%get3A_96, %get3A_97] : memref<1x128xf32, #tpu.memory_space<vmem>>, vector<1x128xf32>
      %add3A_99 = arith.addf %get3A_98, %add3A_87 : vector<1x128xf32>
      %swap3A = arith.constant 0 : index
      %swap3A_100 = arith.constant 0 : index
      %swap3A_101 = vector.load %arg7[%swap3A, %swap3A_100] : memref<1x128xf32, #tpu.memory_space<vmem>>, vector<1x128xf32>
      tpu.vector_store %arg7[%swap3A, %swap3A_100], %add3A_99 {strides = array<i32>} : memref<1x128xf32, #tpu.memory_space<vmem>>, vector<1x128xf32>,
    } else {
    }
    return
  }
  func.func @transform_0(%arg0: i32) -> (i32, i32) {
    %c0_i32 = arith.constant 0 : i32
    %c0_i32_0 = arith.constant 0 : i32
    return %arg0, %c0_i32 : i32, i32
  }
  func.func @transform_1(%arg0: i32) -> (i32, i32) {
    %c0_i32 = arith.constant 0 : i32
    %c0_i32_0 = arith.constant 0 : i32
    return %arg0, %c0_i32 : i32, i32
  }
  func.func @transform_2(%arg0: i32) -> (i32, i32) {
    %c0_i32 = arith.constant 0 : i32
    %c0_i32_0 = arith.constant 0 : i32
    return %arg0, %c0_i32 : i32, i32
  }
  func.func @transform_3(%arg0: i32) -> (i32, i32) {
    %c0_i32 = arith.constant 0 : i32
    %c0_i32_0 = arith.constant 0 : i32
    %c0_i32_1 = arith.constant 0 : i32
    return %c0_i32, %c0_i32_0 : i32, i32
  }
  func.func @transform_4(%arg0: i32) -> (i32, i32) {
    %c0_i32 = arith.constant 0 : i32
    %c0_i32_0 = arith.constant 0 : i32
    %c0_i32_1 = arith.constant 0 : i32
    return %c0_i32, %c0_i32_0 : i32, i32
  }
  func.func @transform_5(%arg0: i32) -> (i32, i32) {
    %c0_i32 = arith.constant 0 : i32
    %c0_i32_0 = arith.constant 0 : i32
    %c0_i32_1 = arith.constant 0 : i32
    return %c0_i32, %c0_i32_0 : i32, i32
  }
  func.func @transform_6(%arg0: i32) -> (i32, i32) {
    %c0_i32 = arith.constant 0 : i32
    %c0_i32_0 = arith.constant 0 : i32
    %c0_i32_1 = arith.constant 0 : i32
    return %c0_i32, %c0_i32_0 : i32, i32
  }
}

</mosaic_0001>

<sc_bundles>
// kernel: kernel.10.cloned.1.call-start
scs
__scs_entry_jumppad:
0x0: {  	(pc) =	sbr.rel $0x88, $3  }
0x1: {  	(tag) =	ssettag $0x0;
	lr =	simm.s32 $0x1  }
0x2: {  	[smem:$0x3F89] =	sst lr;
	_ =	strace $0xD0000000  }
0x3: {  	_ = 	snop  }
0x4: {  	_ = 	snop  }
0x5: {  	_ = 	snop  }
0x6: {  	_ = 	snop  }
0x7: {  	_ = 	snop  }
__scs_overlays_trampoline_lowered:
0x8: {  	[smem:$0x3F98] =	sst s0  }
0x9: {  	[smem:$0x3F99] =	sst s1  }
0xa: {  	[smem:$0x3F9A] =	sst s2  }
0xb: {  	[smem:$0x3F9B] =	sst s3  }
0xc: {  	[smem:$0x3F9C] =	sst s4  }
0xd: {  	[smem:$0x3F9D] =	sst s5  }
0xe: {  	[smem:$0x3F9E] =	sst s6  }
0xf: {  	[smem:$0x3F9F] =	sst s7  }
0x10: {  	[smem:$0x3FA0] =	sst s8  }
0x11: {  	[smem:$0x3FA1] =	sst s9;
	s0 =	simm.s32 @!p0 $0x0  }
0x12: {  	s1 =	sld [smem:$0x3F87];
	s0 =	simm.s32 @p0 $0x1  }
0x13: {  	[smem:$0x3FA2] =	sst s0;
	s0 =	simm.s32 @!p1 $0x0  }
0x14: {  	s2 =	sld [smem:$0x3F86];
	s0 =	simm.s32 @p1 $0x1  }
0x15: {  	[smem:$0x3FA3] =	sst s0;
	s0 =	simm.s32 @!p2 $0x0  }
0x16: {  	s3 =	sld [smem:$0x3FDB];
	s0 =	simm.s32 @p2 $0x1  }
0x17: {  	s4 =	simm.s32 $0x1BF5;
	[smem:$0x3FA5] =	sst s0  }
0x18: {  	s0 =	sld [smem:$0x3F88];
	_ =	swait.ge [sflag:s4], $0x0  }
0x19: {  	s7 =	sld [smem:$0x3F89]  }
0x1a: {  	s8 =	sadd.s32 $0xFFFFE003, lr  }
0x1b: {  	s9 =	sadd.s32 $0xFFFFFEF7, lr;
	s5 =	simm.s32 $0xFFFFFFFF;
	p2 =	slt.u32 s8, $0xFFFFF086  }
0x1c: {  	p1 =	slt.u32 s9, $0xF7A;
	s5 =	simm.s32 @!p2 $0x0  }
0x1d: {  	s5 =	simm.s32 @p1 $0x1;
	p0 =	seq.s32 s7, s2  }
0x1e: {  	s7 =	smul.u32 @!p0 $0xF7A, s2;
	p2 =	seq.s32 @!p0 s5, $0x0  }
0x1f: {  	s9 =	smul.u32 $0xF7A, s1;
	s8 =	simm.s32 @!p0 $0x1BF5;
	p2 =	por !p2, p0  }
0x20: {  	[sflag:s8] =	ssyncset.s32 @!p0 $0xFFFFF086;
	s6 =	sadd.s32 @!p0 s3, s7;
	s7 =	simm.s32 @!p0 $0x108  }
0x21: {  	s3 =	sadd.s32 s3, s9;
	s6 =	sadd.s32 @!p0 $0x88, s6;
	s7 =	simm.s32 @p2 $0x1082  }
0x22: {  	[simem:s7], [sflag:s8] =	dma.local @!p0 [hbm:s6], $0xF7A  }
0x23: {  	s9 =	sor.u32 $0xD0000000, s2;
	s6 =	simm.s32 $0x108;
	_ =	swait.ge @!p0 [sflag:s8], $0x0  }
0x24: {  	s3 =	sadd.s32 $0x88, s3;
	s6 =	simm.s32 @!p1 $0x1082;
	[sflag:s4] =	ssyncset.s32 $0xFFFFF086  }
0x25: {  	[simem:s6], [sflag:s4] =	dma.local [hbm:s3], $0xF7A  }
0x26: {  	[smem:$0x3F89] =	sst s1;
	(tag) =	ssettag s2;
	_ =	strace s9  }
0x27: {  	s1 =	sld [smem:$0x3F99]  }
0x28: {  	s2 =	sld [smem:$0x3F9A]  }
0x29: {  	s4 =	sld [smem:$0x3F9C]  }
0x2a: {  	p0 =	seq.s32 s5, $0x0;
	s5 =	sld [smem:$0x3F9D]  }
0x2b: {  	s6 =	sld [smem:$0x3F9E]  }
0x2c: {  	s7 =	sld [smem:$0x3F9F]  }
0x2d: {  	s3 =	simm.s32 $0x108;
	s8 =	sld [smem:$0x3FA0]  }
0x2e: {  	s3 =	simm.s32 @!p0 $0x1082;
	s9 =	sld [smem:$0x3FA1]  }
0x2f: {  	lr =	sadd.s32 s0, s3;
	s0 =	sld [smem:$0x3F98]  }
0x30: {  	s3 =	sld [smem:$0x3F9B]  }
0x31: {  	[smem:$0x3FA4] =	sst s10  }
0x32: {  	s10 =	sld [smem:$0x3FA2];
	_ =	sdelay $0x3  }
0x33: {  	p0 =	seq.s32 s10, $0x1;
	s10 =	sld [smem:$0x3FA4];
	_ =	sdelay $0x3  }
0x34: {  	[smem:$0x3FA4] =	sst s10  }
0x35: {  	s10 =	sld [smem:$0x3FA3];
	_ =	sdelay $0x3  }
0x36: {  	p1 =	seq.s32 s10, $0x1;
	s10 =	sld [smem:$0x3FA4];
	_ =	sdelay $0x3  }
0x37: {  	[smem:$0x3FA4] =	sst s10  }
0x38: {  	s10 =	sld [smem:$0x3FA5]  }
0x39: {  	_ = 	snop;
	(pc) =	sbr.ind lr, $3  }
0x3a: {  	_ = 	snop  }
0x3b: {  	_ = 	snop  }
0x3c: {  	p2 =	seq.s32 s10, $0x1;
	s10 =	sld [smem:$0x3FA4]  }
0x3d: {  	_ =	shalt  }
0x3e: {  	_ =	shalt  }
0x3f: {  	_ =	shalt  }
0x40: {  	_ =	shalt  }
0x41: {  	_ =	shalt  }
0x42: {  	_ =	shalt  }
0x43: {  	_ =	shalt  }
0x44: {  	_ =	shalt  }
0x45: {  	_ =	shalt  }
0x46: {  	_ =	shalt  }
0x47: {  	_ =	shalt  }
0x48: {  	_ =	shalt  }
0x49: {  	_ =	shalt  }
0x4a: {  	_ =	shalt  }
0x4b: {  	_ =	shalt  }
0x4c: {  	_ =	shalt  }
0x4d: {  	_ =	shalt  }
0x4e: {  	_ =	shalt  }
0x4f: {  	_ =	shalt  }
0x50: {  	_ =	shalt  }
0x51: {  	_ =	shalt  }
0x52: {  	_ =	shalt  }
0x53: {  	_ =	shalt  }
0x54: {  	_ =	shalt  }
0x55: {  	_ =	shalt  }
0x56: {  	_ =	shalt  }
0x57: {  	_ =	shalt  }
0x58: {  	_ =	shalt  }
0x59: {  	_ =	shalt  }
0x5a: {  	_ =	shalt  }
0x5b: {  	_ =	shalt  }
0x5c: {  	_ =	shalt  }
0x5d: {  	_ =	shalt  }
0x5e: {  	_ =	shalt  }
0x5f: {  	_ =	shalt  }
0x60: {  	_ =	shalt  }
0x61: {  	_ =	shalt  }
0x62: {  	_ =	shalt  }
0x63: {  	_ =	shalt  }
0x64: {  	_ =	shalt  }
0x65: {  	_ =	shalt  }
0x66: {  	_ =	shalt  }
0x67: {  	_ =	shalt  }
0x68: {  	_ =	shalt  }
0x69: {  	_ =	shalt  }
0x6a: {  	_ =	shalt  }
0x6b: {  	_ =	shalt  }
0x6c: {  	_ =	shalt  }
0x6d: {  	_ =	shalt  }
0x6e: {  	_ =	shalt  }
0x6f: {  	_ =	shalt  }
0x70: {  	_ =	shalt  }
0x71: {  	_ =	shalt  }
0x72: {  	_ =	shalt  }
0x73: {  	_ =	shalt  }
0x74: {  	_ =	shalt  }
0x75: {  	_ =	shalt  }
0x76: {  	_ =	shalt  }
0x77: {  	_ =	shalt  }
0x78: {  	_ =	shalt  }
0x79: {  	_ =	shalt  }
0x7a: {  	_ =	shalt  }
0x7b: {  	_ =	shalt  }
0x7c: {  	_ =	shalt  }
0x7d: {  	_ =	shalt  }
0x7e: {  	_ =	shalt  }
0x7f: {  	_ =	shalt  }
0x80: {  	_ =	shalt  }
0x81: {  	_ =	shalt  }
0x82: {  	_ =	shalt  }
0x83: {  	_ =	shalt  }
0x84: {  	_ =	shalt  }
0x85: {  	_ =	shalt  }
0x86: {  	_ =	shalt  }
0x87: {  	_ =	shalt  }
.Lfunc_end0:
.L_simem_size_0:
called_computation_lowered:
.L_overlay_start_0:
0x88: {  	s2 =	sld [smem:$0x3FD9]  }
0x89: {  	s3 =	sld [smem:$0x3FFE];
	_ =	sdelay $0x1  }
0x8a: {  	s1 =	srdreg.scid  }
0x8b: {  	s0 =	sand.u32 $0x1, s1  }
0x8c: {  	s16 =	sshll.u32 s0, $0xA;
	s2 =	sadd.s32 s3, s2  }
0x8d: {  	s2 =	sadd.s32 s2, s16  }
0x8e: {  	[smem:$0x3FB0] =	sst s2  }
0x8f: {  	_ = 	snop  }
0x90: {  	(tm) =	ssettm $0x1  }
0x91: {  	s17 =	sld [smem:$0x3FFB];
	_ =	sdelay $0x3  }
0x92: {  	_ =	strace s17  }
0x93: {  	s2 =	sld [smem:$0x3FFC];
	_ =	sdelay $0x3  }
0x94: {  	_ =	strace s2  }
0x95: {  	s2 =	sld [smem:$0x3FFD];
	_ =	sdelay $0x3  }
0x96: {  	_ =	strace s2  }
0x97: {  	_ =	strace $0x8FFFFFFF  }
0x98: {  	s18 =	sld [smem:$0x3FDB];
	_ =	sdelay $0x1  }
0x99: {  	s19 =	simm.s32 $_scs_section_size  }
0x9a: {  	s4 =	simm.s32 $_size__tile_overlayer_lowered;
	s5 =	simm.s32 $_tile_overlayer_lowered  }
0x9b: {  	s22 =	simm.s32 $0x1BFF;
	s21 =	sshll.u32 s5, $0x1;
	s2 =	sadd.s32 s19, s18  }
0x9c: {  	s6 =	simm.s32 $0x0;
	s20 =	sshll.u32 s4, $0x1;
	s4 =	sadd.s32 s21, s2  }
0x9d: {  	[timem:s6], [sflag:s22] =	dma.local [hbm:s4], s20  }
0x9e: {  	_ =	swait.ge [sflag:s22], s20  }
0x9f: {  	s3 =	ssub.s32 $0x0, s20;
	[sflag:s22] =	ssyncset.done $0x0  }
0xa0: {  	[sflag:s22] =	ssyncadd.s32 s3;
	_ =	sdelay $0x1  }
0xa1: {  	s23 =	simm.s32 $0x1B8B  }
0xa2: {  	_ =	swait.ge [sflag:s23], $0x1  }
0xa3: {  	[sflag:s23] =	ssyncset.done $0x0  }
0xa4: {  	s25 =	simm.s32 $0x1B8E;
	s24 =	sld [smem:$0x3FFE];
	[sflag:s23] =	ssyncadd.s32 $0xFFFFFFFF  }
0xa5: {  	s26 =	simm.s32 $execute0_lowered;
	[smem:$0x3FD2] =	sst s25  }
0xa6: {  	s4 =	sshll.u32 s26, $0x1;
	_ =	strace $0x80000046;
	[dreg:$0x1] =	wrdreg $0xFFFFFFFF  }
0xa7: {  	s28 =	simm.s32 $_size_execute0_lowered;
	s2 =	sadd.s32 s2, s4;
	[dreg:$0x0] =	wrdreg $0x0  }
0xa8: {  	s4 =	sshll.u32 s28, $0x1;
	[dreg:$0x2] =	wrdreg s2  }
0xa9: {  	[dreg:$0x3] =	wrdreg s4  }
0xaa: {  	[dreg:$0x4] =	wrdreg $0xC0  }
0xab: {  	_ =	task [dreg:s6], $0x5FFFF  }
0xac: {  	[dreg:$0x1] =	wrdreg $0xFFFFFFFF  }
0xad: {  	[dreg:$0x0] =	wrdreg $0x60  }
0xae: {  	[dreg:$0x2] =	wrdreg s24  }
0xaf: {  	[dreg:$0x3] =	wrdreg $0x9  }
0xb0: {  	_ =	task.clear_ibuf [dreg:s6], $0x4FFFF;
	_ =	strace $0x90000046  }
0xb1: {  	s29 =	simm.s32 $0x9;
	_ =	strace $0x80000048  }
0xb2: {  	_ =	swait.ge [sflag:s29], $0x1  }
0xb3: {  	[sflag:s29] =	ssyncadd.s32 $0xFFFFFFFF  }
0xb4: {  	_ =	strace $0x90000048  }
0xb5: {  	_ =	sfence  }
0xb6: {  	s30 =	sld [smem:$0x0];
	_ =	sdelay $0x2  }
0xb7: {  	s31 =	sshll.u32 s1, $0xD;
	s1 =	sshrl.u32 s1, $0x2  }
0xb8: {  	s3 =	sand.u32 $0x4000, s31;
	s1 =	sadd.s32 s1, s30  }
0xb9: {  	s0 =	sor.u32 s3, s0;
	s1 =	sshll.u32 s1, $0x11  }
0xba: {  	s0 =	sor.u32 s1, s0  }
0xbb: {  	s0 =	sadd.s32 $0x8F2B, s0  }
0xbc: {  	[sflag:s0] =	ssyncadd.remote.s32 $0x1  }
0xbd: {  	_ =	sfence.sel $0xFFFF  }
0xbe: {  	[dreg:$0x0] =	wrdreg $0xFFFFFFFF;
	(pc) =	sbr.abs _section_cstart, $3  }
0xbf: {  	[dreg:$0x1] =	wrdreg $0xFFFFFFFF  }
0xc0: {  	_ =	task.clear_ibuf [dreg:s6], $0x2FFFF;
	_ =	strace $0x9FFFFFFF  }
0xc1: {  	(tm) =	ssettm $0x7FFFFFFF  }
tec
execute0_lowered:
.L_overlay_start_1:
0x0: {  	(tag) =	ssettag $0x1  }
0x1: {  	s1 =	srdreg.scid  }
0x2: {  	s0 =	stileid.u32;
	s6 =	sand.u32 $0x1, s1  }
0x3: {  	s8 =	rddreg [dreg:$0x0];
	s30 =	sshll.u32 s0, $0x8;
	s2 =	sshll.u32 s6, $0x7  }
0x4: {  	s7 =	simm.s32 $0x1;
	s1 =	rddreg [dreg:$0x1];
	s9 =	sor.u32 s2, s30  }
0x5: {  	s5 =	sadd.s32 $0x3C00, s8;
	s2 =	simm.s32 $0x0;
	s3 =	sshrl.u32 s9, $0x3  }
0x6: {  	s10 =	ssub.s32 $0x2, s6;
	[smem:$0x7FF] =	sst s2;
	s3 =	sadd.s32 s3, s8  }
0x7: {  	_ =	strace $0x80000047;
	s4 =	sadd.s32 $0x63C00, s3;
	s3 =	simm.s32 $0x2  }
0x8: {  	[tilespmem:s2], [sflag:$0x2] =	stream.linear.gather [hbm4b:s4+s2], $0x80, $0x38;
	[tilespmem:$0x4080] =	vst v63  }
0x9: {  	s6 =	simm.s32 $0x80;
	s11 =	sshrl.u32 s10, $0x1;
	_ =	swait.ge [sflag:s3], $0x80  }
0xa: {  	s9 =	sshll.u32 s9, $0x4;
	s31 =	ssub.s32 s10, s11;
	[sflag:s3] =	ssyncset.done $0x0  }
0xb: {  	s8 =	sadd.s32 s9, s8;
	s9 =	smax.u32 s31, $0x1;
	[sflag:s3] =	ssyncadd.s32 $0xFFFFFF80  }
0xc: {  	[tilespmem:s6], [sflag:$0x1] =	stream.indirect.gather [hbm4b:s5+s6], $0x80, s2, s6, $0xb8;
	[tilespmem:$0x4080] =	vst v63  }
0xd: {  	p0 =	sne.s32 s9, $0x1;
	_ =	swait.ge [sflag:s7], $0x4000  }
.Ltmp0:
0xe: {  	[sflag:s7] =	ssyncset.done $0x0;
	(pc) =	sbr.rel @!p0 .LBB2_2-.Ltmp0, $4  }
0xf: {  	s8 =	sadd.s32 $0x63E00, s8;
	[sflag:s7] =	ssyncadd.s32 $0xFFFFC000  }
0x10: {  	[hbm4b:s8+s2] =	stream.linear.scatter [tilespmem:s6], [sflag:$0x2], $0x4000, $0x38;
	[tilespmem:$0x4080] =	vst v63  }
0x11: {  	_ =	swait.ge [sflag:s3], $0x4000  }
0x12: {  	s9 =	sadd.s32 $0xFFFFFFFF, s9;
	[sflag:s3] =	ssyncset.done $0x0  }
.LBB2_1:
0x13: {  	p0 =	sne.s32 s9, $0x1;
	s9 =	sadd.s32 $0xFFFFFFFF, s9;
	[sflag:s3] =	ssyncadd.s32 $0xFFFFC000  }
0x14: {  	[tilespmem:s2], [sflag:$0x2] =	stream.linear.gather [hbm4b:s4+s2], $0x80, $0x38;
	[tilespmem:$0x4080] =	vst v63  }
0x15: {  	_ =	swait.ge [sflag:s3], $0x80  }
0x16: {  	[sflag:s3] =	ssyncset.done $0x0  }
0x17: {  	[sflag:s3] =	ssyncadd.s32 $0xFFFFFF80  }
0x18: {  	[tilespmem:s6], [sflag:$0x1] =	stream.indirect.gather [hbm4b:s5+s6], $0x80, s2, s6, $0xb8;
	[tilespmem:$0x4080] =	vst v63  }
0x19: {  	_ =	swait.ge [sflag:s7], $0x4000  }
.Ltmp1:
0x1a: {  	[sflag:s7] =	ssyncset.done $0x0;
	(pc) =	sbr.rel @p0 .LBB2_1-.Ltmp1, $4  }
0x1b: {  	[sflag:s7] =	ssyncadd.s32 $0xFFFFC000  }
0x1c: {  	[hbm4b:s8+s2] =	stream.linear.scatter [tilespmem:s6], [sflag:$0x2], $0x4000, $0x38;
	[tilespmem:$0x4080] =	vst v63  }
0x1d: {  	_ =	swait.ge [sflag:s3], $0x4000  }
0x1e: {  	[sflag:s3] =	ssyncset.done $0x0  }
.LBB2_2:
0x1f: {  	[sflag:s3] =	ssyncadd.s32 $0xFFFFC000  }
0x20: {  	_ =	sfence.sel $0x180000  }
0x21: {  	[bflag:$0x0] =	sbarrier.arrive $0xFFFF  }
0x22: {  	p0 =	sne.s32 s0, $0x0;
	_ =	strace $0x90000047  }
0x23: {  	s0 =	sadd.s32 @!p0 $0x100000, s1;
	[bflag:$0x2] =	sbarrier.arrive $0xFFFF  }
0x24: {  	[sflag:s0] =	ssyncadd.tile.s32 @!p0 $0x1;
	_ =	shalt  }
.Lfunc_end2:
_tile_overlayer_lowered:
.L_overlay_start_2:
0x25: {  	(tag) =	ssettag $0x2  }
0x26: {  	s0 =	rddreg [dreg:$0x0];
	s2 =	stileid.u32  }
0x27: {  	s1 =	rddreg [dreg:$0x1];
	p0 =	sne.s32 s2, $0x0  }
0x28: {  	s3 =	rddreg [dreg:$0x2];
	[bflag:$0x3] =	sbarrier.arrive $0xFFFF;
	s2 =	simm.s32 @!p0 $0x1C02  }
0x29: {  	[timem:s3], [sflag:s2] =	dma.local @!p0 [hbm:s0], s1  }
0x2a: {  	s0 =	simm.s32 @!p0 $0x2  }
0x2b: {  	_ =	swait.ge @!p0 [sflag:s0], s1  }
0x2c: {  	s1 =	ssub.s32 @!p0 $0x0, s1;
	[sflag:s0] =	ssyncset.done @!p0 $0x0  }
0x2d: {  	[sflag:s0] =	ssyncadd.s32 @!p0 s1  }
0x2e: {  	[bflag:$0x3] =	sbarrier.arrive $0xFFFF  }
0x2f: {  	_ =	shalt  }

// kernel: kernel.13.cloned.1.call-start
scs
__scs_entry_jumppad:
0x0: {  	(pc) =	sbr.rel $0x88, $3  }
0x1: {  	(tag) =	ssettag $0x0;
	lr =	simm.s32 $0x1  }
0x2: {  	[smem:$0x3F89] =	sst lr;
	_ =	strace $0xD0000000  }
0x3: {  	_ = 	snop  }
0x4: {  	_ = 	snop  }
0x5: {  	_ = 	snop  }
0x6: {  	_ = 	snop  }
0x7: {  	_ = 	snop  }
__scs_overlays_trampoline_lowered:
0x8: {  	[smem:$0x3F98] =	sst s0  }
0x9: {  	[smem:$0x3F99] =	sst s1  }
0xa: {  	[smem:$0x3F9A] =	sst s2  }
0xb: {  	[smem:$0x3F9B] =	sst s3  }
0xc: {  	[smem:$0x3F9C] =	sst s4  }
0xd: {  	[smem:$0x3F9D] =	sst s5  }
0xe: {  	[smem:$0x3F9E] =	sst s6  }
0xf: {  	[smem:$0x3F9F] =	sst s7  }
0x10: {  	[smem:$0x3FA0] =	sst s8  }
0x11: {  	[smem:$0x3FA1] =	sst s9;
	s0 =	simm.s32 @!p0 $0x0  }
0x12: {  	s1 =	sld [smem:$0x3F87];
	s0 =	simm.s32 @p0 $0x1  }
0x13: {  	[smem:$0x3FA2] =	sst s0;
	s0 =	simm.s32 @!p1 $0x0  }
0x14: {  	s2 =	sld [smem:$0x3F86];
	s0 =	simm.s32 @p1 $0x1  }
0x15: {  	[smem:$0x3FA3] =	sst s0;
	s0 =	simm.s32 @!p2 $0x0  }
0x16: {  	s3 =	sld [smem:$0x3FDB];
	s0 =	simm.s32 @p2 $0x1  }
0x17: {  	s4 =	simm.s32 $0x1BF5;
	[smem:$0x3FA5] =	sst s0  }
0x18: {  	s0 =	sld [smem:$0x3F88];
	_ =	swait.ge [sflag:s4], $0x0  }
0x19: {  	s7 =	sld [smem:$0x3F89]  }
0x1a: {  	s8 =	sadd.s32 $0xFFFFE003, lr  }
0x1b: {  	s9 =	sadd.s32 $0xFFFFFEF7, lr;
	s5 =	simm.s32 $0xFFFFFFFF;
	p2 =	slt.u32 s8, $0xFFFFF086  }
0x1c: {  	p1 =	slt.u32 s9, $0xF7A;
	s5 =	simm.s32 @!p2 $0x0  }
0x1d: {  	s5 =	simm.s32 @p1 $0x1;
	p0 =	seq.s32 s7, s2  }
0x1e: {  	s7 =	smul.u32 @!p0 $0xF7A, s2;
	p2 =	seq.s32 @!p0 s5, $0x0  }
0x1f: {  	s9 =	smul.u32 $0xF7A, s1;
	s8 =	simm.s32 @!p0 $0x1BF5;
	p2 =	por !p2, p0  }
0x20: {  	[sflag:s8] =	ssyncset.s32 @!p0 $0xFFFFF086;
	s6 =	sadd.s32 @!p0 s3, s7;
	s7 =	simm.s32 @!p0 $0x108  }
0x21: {  	s3 =	sadd.s32 s3, s9;
	s6 =	sadd.s32 @!p0 $0x88, s6;
	s7 =	simm.s32 @p2 $0x1082  }
0x22: {  	[simem:s7], [sflag:s8] =	dma.local @!p0 [hbm:s6], $0xF7A  }
0x23: {  	s9 =	sor.u32 $0xD0000000, s2;
	s6 =	simm.s32 $0x108;
	_ =	swait.ge @!p0 [sflag:s8], $0x0  }
0x24: {  	s3 =	sadd.s32 $0x88, s3;
	s6 =	simm.s32 @!p1 $0x1082;
	[sflag:s4] =	ssyncset.s32 $0xFFFFF086  }
0x25: {  	[simem:s6], [sflag:s4] =	dma.local [hbm:s3], $0xF7A  }
0x26: {  	[smem:$0x3F89] =	sst s1;
	(tag) =	ssettag s2;
	_ =	strace s9  }
0x27: {  	s1 =	sld [smem:$0x3F99]  }
0x28: {  	s2 =	sld [smem:$0x3F9A]  }
0x29: {  	s4 =	sld [smem:$0x3F9C]  }
0x2a: {  	p0 =	seq.s32 s5, $0x0;
	s5 =	sld [smem:$0x3F9D]  }
0x2b: {  	s6 =	sld [smem:$0x3F9E]  }
0x2c: {  	s7 =	sld [smem:$0x3F9F]  }
0x2d: {  	s3 =	simm.s32 $0x108;
	s8 =	sld [smem:$0x3FA0]  }
0x2e: {  	s3 =	simm.s32 @!p0 $0x1082;
	s9 =	sld [smem:$0x3FA1]  }
0x2f: {  	lr =	sadd.s32 s0, s3;
	s0 =	sld [smem:$0x3F98]  }
0x30: {  	s3 =	sld [smem:$0x3F9B]  }
0x31: {  	[smem:$0x3FA4] =	sst s10  }
0x32: {  	s10 =	sld [smem:$0x3FA2];
	_ =	sdelay $0x3  }
0x33: {  	p0 =	seq.s32 s10, $0x1;
	s10 =	sld [smem:$0x3FA4];
	_ =	sdelay $0x3  }
0x34: {  	[smem:$0x3FA4] =	sst s10  }
0x35: {  	s10 =	sld [smem:$0x3FA3];
	_ =	sdelay $0x3  }
0x36: {  	p1 =	seq.s32 s10, $0x1;
	s10 =	sld [smem:$0x3FA4];
	_ =	sdelay $0x3  }
0x37: {  	[smem:$0x3FA4] =	sst s10  }
0x38: {  	s10 =	sld [smem:$0x3FA5]  }
0x39: {  	_ = 	snop;
	(pc) =	sbr.ind lr, $3  }
0x3a: {  	_ = 	snop  }
0x3b: {  	_ = 	snop  }
0x3c: {  	p2 =	seq.s32 s10, $0x1;
	s10 =	sld [smem:$0x3FA4]  }
0x3d: {  	_ =	shalt  }
0x3e: {  	_ =	shalt  }
0x3f: {  	_ =	shalt  }
0x40: {  	_ =	shalt  }
0x41: {  	_ =	shalt  }
0x42: {  	_ =	shalt  }
0x43: {  	_ =	shalt  }
0x44: {  	_ =	shalt  }
0x45: {  	_ =	shalt  }
0x46: {  	_ =	shalt  }
0x47: {  	_ =	shalt  }
0x48: {  	_ =	shalt  }
0x49: {  	_ =	shalt  }
0x4a: {  	_ =	shalt  }
0x4b: {  	_ =	shalt  }
0x4c: {  	_ =	shalt  }
0x4d: {  	_ =	shalt  }
0x4e: {  	_ =	shalt  }
0x4f: {  	_ =	shalt  }
0x50: {  	_ =	shalt  }
0x51: {  	_ =	shalt  }
0x52: {  	_ =	shalt  }
0x53: {  	_ =	shalt  }
0x54: {  	_ =	shalt  }
0x55: {  	_ =	shalt  }
0x56: {  	_ =	shalt  }
0x57: {  	_ =	shalt  }
0x58: {  	_ =	shalt  }
0x59: {  	_ =	shalt  }
0x5a: {  	_ =	shalt  }
0x5b: {  	_ =	shalt  }
0x5c: {  	_ =	shalt  }
0x5d: {  	_ =	shalt  }
0x5e: {  	_ =	shalt  }
0x5f: {  	_ =	shalt  }
0x60: {  	_ =	shalt  }
0x61: {  	_ =	shalt  }
0x62: {  	_ =	shalt  }
0x63: {  	_ =	shalt  }
0x64: {  	_ =	shalt  }
0x65: {  	_ =	shalt  }
0x66: {  	_ =	shalt  }
0x67: {  	_ =	shalt  }
0x68: {  	_ =	shalt  }
0x69: {  	_ =	shalt  }
0x6a: {  	_ =	shalt  }
0x6b: {  	_ =	shalt  }
0x6c: {  	_ =	shalt  }
0x6d: {  	_ =	shalt  }
0x6e: {  	_ =	shalt  }
0x6f: {  	_ =	shalt  }
0x70: {  	_ =	shalt  }
0x71: {  	_ =	shalt  }
0x72: {  	_ =	shalt  }
0x73: {  	_ =	shalt  }
0x74: {  	_ =	shalt  }
0x75: {  	_ =	shalt  }
0x76: {  	_ =	shalt  }
0x77: {  	_ =	shalt  }
0x78: {  	_ =	shalt  }
0x79: {  	_ =	shalt  }
0x7a: {  	_ =	shalt  }
0x7b: {  	_ =	shalt  }
0x7c: {  	_ =	shalt  }
0x7d: {  	_ =	shalt  }
0x7e: {  	_ =	shalt  }
0x7f: {  	_ =	shalt  }
0x80: {  	_ =	shalt  }
0x81: {  	_ =	shalt  }
0x82: {  	_ =	shalt  }
0x83: {  	_ =	shalt  }
0x84: {  	_ =	shalt  }
0x85: {  	_ =	shalt  }
0x86: {  	_ =	shalt  }
0x87: {  	_ =	shalt  }
.Lfunc_end0:
.L_simem_size_0:
called_computation.1_lowered:
.L_overlay_start_0:
0x88: {  	s2 =	sld [smem:$0x3FD9]  }
0x89: {  	s3 =	sld [smem:$0x3FFE];
	_ =	sdelay $0x1  }
0x8a: {  	s1 =	srdreg.scid  }
0x8b: {  	s0 =	sand.u32 $0x1, s1  }
0x8c: {  	s16 =	sshll.u32 s0, $0xA;
	s2 =	sadd.s32 s3, s2  }
0x8d: {  	s2 =	sadd.s32 s2, s16  }
0x8e: {  	[smem:$0x3FB0] =	sst s2  }
0x8f: {  	_ = 	snop  }
0x90: {  	(tm) =	ssettm $0x1  }
0x91: {  	s17 =	sld [smem:$0x3FFB];
	_ =	sdelay $0x3  }
0x92: {  	_ =	strace s17  }
0x93: {  	s2 =	sld [smem:$0x3FFC];
	_ =	sdelay $0x3  }
0x94: {  	_ =	strace s2  }
0x95: {  	s2 =	sld [smem:$0x3FFD];
	_ =	sdelay $0x3  }
0x96: {  	_ =	strace s2  }
0x97: {  	_ =	strace $0x8FFFFFFF  }
0x98: {  	s18 =	sld [smem:$0x3FDB];
	_ =	sdelay $0x1  }
0x99: {  	s19 =	simm.s32 $_scs_section_size  }
0x9a: {  	s4 =	simm.s32 $_size__tile_overlayer_lowered;
	s5 =	simm.s32 $_tile_overlayer_lowered  }
0x9b: {  	s22 =	simm.s32 $0x1BFF;
	s21 =	sshll.u32 s5, $0x1;
	s2 =	sadd.s32 s19, s18  }
0x9c: {  	s6 =	simm.s32 $0x0;
	s20 =	sshll.u32 s4, $0x1;
	s4 =	sadd.s32 s21, s2  }
0x9d: {  	[timem:s6], [sflag:s22] =	dma.local [hbm:s4], s20  }
0x9e: {  	_ =	swait.ge [sflag:s22], s20  }
0x9f: {  	s3 =	ssub.s32 $0x0, s20;
	[sflag:s22] =	ssyncset.done $0x0  }
0xa0: {  	[sflag:s22] =	ssyncadd.s32 s3;
	_ =	sdelay $0x1  }
0xa1: {  	s23 =	simm.s32 $0x1B8B  }
0xa2: {  	_ =	swait.ge [sflag:s23], $0x1  }
0xa3: {  	[sflag:s23] =	ssyncset.done $0x0  }
0xa4: {  	s25 =	simm.s32 $0x1B8E;
	s24 =	sld [smem:$0x3FFE];
	[sflag:s23] =	ssyncadd.s32 $0xFFFFFFFF  }
0xa5: {  	s26 =	simm.s32 $execute0_lowered;
	[smem:$0x3FD2] =	sst s25  }
0xa6: {  	s4 =	sshll.u32 s26, $0x1;
	_ =	strace $0x80000049;
	[dreg:$0x1] =	wrdreg $0xFFFFFFFF  }
0xa7: {  	s28 =	simm.s32 $_size_execute0_lowered;
	s2 =	sadd.s32 s2, s4;
	[dreg:$0x0] =	wrdreg $0x0  }
0xa8: {  	s4 =	sshll.u32 s28, $0x1;
	[dreg:$0x2] =	wrdreg s2  }
0xa9: {  	[dreg:$0x3] =	wrdreg s4  }
0xaa: {  	[dreg:$0x4] =	wrdreg $0xC0  }
0xab: {  	_ =	task [dreg:s6], $0x5FFFF  }
0xac: {  	[dreg:$0x1] =	wrdreg $0xFFFFFFFF  }
0xad: {  	[dreg:$0x0] =	wrdreg $0x60  }
0xae: {  	[dreg:$0x2] =	wrdreg s24  }
0xaf: {  	[dreg:$0x3] =	wrdreg $0x9  }
0xb0: {  	_ =	task.clear_ibuf [dreg:s6], $0x4FFFF;
	_ =	strace $0x90000049  }
0xb1: {  	s29 =	simm.s32 $0x9;
	_ =	strace $0x8000004B  }
0xb2: {  	_ =	swait.ge [sflag:s29], $0x1  }
0xb3: {  	[sflag:s29] =	ssyncadd.s32 $0xFFFFFFFF  }
0xb4: {  	_ =	strace $0x9000004B  }
0xb5: {  	_ =	sfence  }
0xb6: {  	s30 =	sld [smem:$0x0];
	_ =	sdelay $0x2  }
0xb7: {  	s31 =	sshll.u32 s1, $0xD;
	s1 =	sshrl.u32 s1, $0x2  }
0xb8: {  	s3 =	sand.u32 $0x4000, s31;
	s1 =	sadd.s32 s1, s30  }
0xb9: {  	s0 =	sor.u32 s3, s0;
	s1 =	sshll.u32 s1, $0x11  }
0xba: {  	s0 =	sor.u32 s1, s0  }
0xbb: {  	s0 =	sadd.s32 $0x8F2B, s0  }
0xbc: {  	[sflag:s0] =	ssyncadd.remote.s32 $0x1  }
0xbd: {  	_ =	sfence.sel $0xFFFF  }
0xbe: {  	[dreg:$0x0] =	wrdreg $0xFFFFFFFF;
	(pc) =	sbr.abs _section_cstart, $3  }
0xbf: {  	[dreg:$0x1] =	wrdreg $0xFFFFFFFF  }
0xc0: {  	_ =	task.clear_ibuf [dreg:s6], $0x2FFFF;
	_ =	strace $0x9FFFFFFF  }
0xc1: {  	(tm) =	ssettm $0x7FFFFFFF  }
tec
execute0_lowered:
.L_overlay_start_1:
0x0: {  	(tag) =	ssettag $0x1  }
0x1: {  	s1 =	srdreg.scid  }
0x2: {  	s0 =	stileid.u32;
	s6 =	sand.u32 $0x1, s1  }
0x3: {  	s8 =	rddreg [dreg:$0x0];
	s30 =	sshll.u32 s0, $0x8;
	s2 =	sshll.u32 s6, $0x7  }
0x4: {  	s7 =	simm.s32 $0x1;
	s1 =	rddreg [dreg:$0x1];
	s9 =	sor.u32 s2, s30  }
0x5: {  	s5 =	sadd.s32 $0x23C00, s8;
	s2 =	simm.s32 $0x0;
	s3 =	sshrl.u32 s9, $0x3  }
0x6: {  	s10 =	ssub.s32 $0x2, s6;
	[smem:$0x7FF] =	sst s2;
	s3 =	sadd.s32 s3, s8  }
0x7: {  	_ =	strace $0x8000004A;
	s4 =	sadd.s32 $0x3C00, s3;
	s3 =	simm.s32 $0x2  }
0x8: {  	[tilespmem:s2], [sflag:$0x2] =	stream.linear.gather [hbm4b:s4+s2], $0x80, $0x38;
	[tilespmem:$0x4080] =	vst v63  }
0x9: {  	s6 =	simm.s32 $0x80;
	s11 =	sshrl.u32 s10, $0x1;
	_ =	swait.ge [sflag:s3], $0x80  }
0xa: {  	s9 =	sshll.u32 s9, $0x4;
	s31 =	ssub.s32 s10, s11;
	[sflag:s3] =	ssyncset.done $0x0  }
0xb: {  	s8 =	sadd.s32 s9, s8;
	s9 =	smax.u32 s31, $0x1;
	[sflag:s3] =	ssyncadd.s32 $0xFFFFFF80  }
0xc: {  	[tilespmem:s6], [sflag:$0x1] =	stream.indirect.gather [hbm4b:s5+s6], $0x80, s2, s6, $0xb8;
	[tilespmem:$0x4080] =	vst v63  }
0xd: {  	p0 =	sne.s32 s9, $0x1;
	_ =	swait.ge [sflag:s7], $0x4000  }
.Ltmp0:
0xe: {  	[sflag:s7] =	ssyncset.done $0x0;
	(pc) =	sbr.rel @!p0 .LBB2_2-.Ltmp0, $4  }
0xf: {  	s8 =	sadd.s32 $0x3E00, s8;
	[sflag:s7] =	ssyncadd.s32 $0xFFFFC000  }
0x10: {  	[hbm4b:s8+s2] =	stream.linear.scatter [tilespmem:s6], [sflag:$0x2], $0x4000, $0x38;
	[tilespmem:$0x4080] =	vst v63  }
0x11: {  	_ =	swait.ge [sflag:s3], $0x4000  }
0x12: {  	s9 =	sadd.s32 $0xFFFFFFFF, s9;
	[sflag:s3] =	ssyncset.done $0x0  }
.LBB2_1:
0x13: {  	p0 =	sne.s32 s9, $0x1;
	s9 =	sadd.s32 $0xFFFFFFFF, s9;
	[sflag:s3] =	ssyncadd.s32 $0xFFFFC000  }
0x14: {  	[tilespmem:s2], [sflag:$0x2] =	stream.linear.gather [hbm4b:s4+s2], $0x80, $0x38;
	[tilespmem:$0x4080] =	vst v63  }
0x15: {  	_ =	swait.ge [sflag:s3], $0x80  }
0x16: {  	[sflag:s3] =	ssyncset.done $0x0  }
0x17: {  	[sflag:s3] =	ssyncadd.s32 $0xFFFFFF80  }
0x18: {  	[tilespmem:s6], [sflag:$0x1] =	stream.indirect.gather [hbm4b:s5+s6], $0x80, s2, s6, $0xb8;
	[tilespmem:$0x4080] =	vst v63  }
0x19: {  	_ =	swait.ge [sflag:s7], $0x4000  }
.Ltmp1:
0x1a: {  	[sflag:s7] =	ssyncset.done $0x0;
	(pc) =	sbr.rel @p0 .LBB2_1-.Ltmp1, $4  }
0x1b: {  	[sflag:s7] =	ssyncadd.s32 $0xFFFFC000  }
0x1c: {  	[hbm4b:s8+s2] =	stream.linear.scatter [tilespmem:s6], [sflag:$0x2], $0x4000, $0x38;
	[tilespmem:$0x4080] =	vst v63  }
0x1d: {  	_ =	swait.ge [sflag:s3], $0x4000  }
0x1e: {  	[sflag:s3] =	ssyncset.done $0x0  }
.LBB2_2:
0x1f: {  	[sflag:s3] =	ssyncadd.s32 $0xFFFFC000  }
0x20: {  	_ =	sfence.sel $0x180000  }
0x21: {  	[bflag:$0x0] =	sbarrier.arrive $0xFFFF  }
0x22: {  	p0 =	sne.s32 s0, $0x0;
	_ =	strace $0x9000004A  }
0x23: {  	s0 =	sadd.s32 @!p0 $0x100000, s1;
	[bflag:$0x2] =	sbarrier.arrive $0xFFFF  }
0x24: {  	[sflag:s0] =	ssyncadd.tile.s32 @!p0 $0x1;
	_ =	shalt  }
.Lfunc_end2:
_tile_overlayer_lowered:
.L_overlay_start_2:
0x25: {  	(tag) =	ssettag $0x2  }
0x26: {  	s0 =	rddreg [dreg:$0x0];
	s2 =	stileid.u32  }
0x27: {  	s1 =	rddreg [dreg:$0x1];
	p0 =	sne.s32 s2, $0x0  }
0x28: {  	s3 =	rddreg [dreg:$0x2];
	[bflag:$0x3] =	sbarrier.arrive $0xFFFF;
	s2 =	simm.s32 @!p0 $0x1C02  }
0x29: {  	[timem:s3], [sflag:s2] =	dma.local @!p0 [hbm:s0], s1  }
0x2a: {  	s0 =	simm.s32 @!p0 $0x2  }
0x2b: {  	_ =	swait.ge @!p0 [sflag:s0], s1  }
0x2c: {  	s1 =	ssub.s32 @!p0 $0x0, s1;
	[sflag:s0] =	ssyncset.done @!p0 $0x0  }
0x2d: {  	[sflag:s0] =	ssyncadd.s32 @!p0 s1  }
0x2e: {  	[bflag:$0x3] =	sbarrier.arrive $0xFFFF  }
0x2f: {  	_ =	shalt  }

// kernel: kernel.16.cloned.1.call-start
scs
__scs_entry_jumppad:
0x0: {  	(pc) =	sbr.rel $0x88, $3  }
0x1: {  	(tag) =	ssettag $0x0;
	lr =	simm.s32 $0x1  }
0x2: {  	[smem:$0x3F89] =	sst lr;
	_ =	strace $0xD0000000  }
0x3: {  	_ = 	snop  }
0x4: {  	_ = 	snop  }
0x5: {  	_ = 	snop  }
0x6: {  	_ = 	snop  }
0x7: {  	_ = 	snop  }
__scs_overlays_trampoline_lowered:
0x8: {  	[smem:$0x3F98] =	sst s0  }
0x9: {  	[smem:$0x3F99] =	sst s1  }
0xa: {  	[smem:$0x3F9A] =	sst s2  }
0xb: {  	[smem:$0x3F9B] =	sst s3  }
0xc: {  	[smem:$0x3F9C] =	sst s4  }
0xd: {  	[smem:$0x3F9D] =	sst s5  }
0xe: {  	[smem:$0x3F9E] =	sst s6  }
0xf: {  	[smem:$0x3F9F] =	sst s7  }
0x10: {  	[smem:$0x3FA0] =	sst s8  }
0x11: {  	[smem:$0x3FA1] =	sst s9;
	s0 =	simm.s32 @!p0 $0x0  }
0x12: {  	s1 =	sld [smem:$0x3F87];
	s0 =	simm.s32 @p0 $0x1  }
0x13: {  	[smem:$0x3FA2] =	sst s0;
	s0 =	simm.s32 @!p1 $0x0  }
0x14: {  	s2 =	sld [smem:$0x3F86];
	s0 =	simm.s32 @p1 $0x1  }
0x15: {  	[smem:$0x3FA3] =	sst s0;
	s0 =	simm.s32 @!p2 $0x0  }
0x16: {  	s3 =	sld [smem:$0x3FDB];
	s0 =	simm.s32 @p2 $0x1  }
0x17: {  	s4 =	simm.s32 $0x1BF5;
	[smem:$0x3FA5] =	sst s0  }
0x18: {  	s0 =	sld [smem:$0x3F88];
	_ =	swait.ge [sflag:s4], $0x0  }
0x19: {  	s7 =	sld [smem:$0x3F89]  }
0x1a: {  	s8 =	sadd.s32 $0xFFFFE003, lr  }
0x1b: {  	s9 =	sadd.s32 $0xFFFFFEF7, lr;
	s5 =	simm.s32 $0xFFFFFFFF;
	p2 =	slt.u32 s8, $0xFFFFF086  }
0x1c: {  	p1 =	slt.u32 s9, $0xF7A;
	s5 =	simm.s32 @!p2 $0x0  }
0x1d: {  	s5 =	simm.s32 @p1 $0x1;
	p0 =	seq.s32 s7, s2  }
0x1e: {  	s7 =	smul.u32 @!p0 $0xF7A, s2;
	p2 =	seq.s32 @!p0 s5, $0x0  }
0x1f: {  	s9 =	smul.u32 $0xF7A, s1;
	s8 =	simm.s32 @!p0 $0x1BF5;
	p2 =	por !p2, p0  }
0x20: {  	[sflag:s8] =	ssyncset.s32 @!p0 $0xFFFFF086;
	s6 =	sadd.s32 @!p0 s3, s7;
	s7 =	simm.s32 @!p0 $0x108  }
0x21: {  	s3 =	sadd.s32 s3, s9;
	s6 =	sadd.s32 @!p0 $0x88, s6;
	s7 =	simm.s32 @p2 $0x1082  }
0x22: {  	[simem:s7], [sflag:s8] =	dma.local @!p0 [hbm:s6], $0xF7A  }
0x23: {  	s9 =	sor.u32 $0xD0000000, s2;
	s6 =	simm.s32 $0x108;
	_ =	swait.ge @!p0 [sflag:s8], $0x0  }
0x24: {  	s3 =	sadd.s32 $0x88, s3;
	s6 =	simm.s32 @!p1 $0x1082;
	[sflag:s4] =	ssyncset.s32 $0xFFFFF086  }
0x25: {  	[simem:s6], [sflag:s4] =	dma.local [hbm:s3], $0xF7A  }
0x26: {  	[smem:$0x3F89] =	sst s1;
	(tag) =	ssettag s2;
	_ =	strace s9  }
0x27: {  	s1 =	sld [smem:$0x3F99]  }
0x28: {  	s2 =	sld [smem:$0x3F9A]  }
0x29: {  	s4 =	sld [smem:$0x3F9C]  }
0x2a: {  	p0 =	seq.s32 s5, $0x0;
	s5 =	sld [smem:$0x3F9D]  }
0x2b: {  	s6 =	sld [smem:$0x3F9E]  }
0x2c: {  	s7 =	sld [smem:$0x3F9F]  }
0x2d: {  	s3 =	simm.s32 $0x108;
	s8 =	sld [smem:$0x3FA0]  }
0x2e: {  	s3 =	simm.s32 @!p0 $0x1082;
	s9 =	sld [smem:$0x3FA1]  }
0x2f: {  	lr =	sadd.s32 s0, s3;
	s0 =	sld [smem:$0x3F98]  }
0x30: {  	s3 =	sld [smem:$0x3F9B]  }
0x31: {  	[smem:$0x3FA4] =	sst s10  }
0x32: {  	s10 =	sld [smem:$0x3FA2];
	_ =	sdelay $0x3  }
0x33: {  	p0 =	seq.s32 s10, $0x1;
	s10 =	sld [smem:$0x3FA4];
	_ =	sdelay $0x3  }
0x34: {  	[smem:$0x3FA4] =	sst s10  }
0x35: {  	s10 =	sld [smem:$0x3FA3];
	_ =	sdelay $0x3  }
0x36: {  	p1 =	seq.s32 s10, $0x1;
	s10 =	sld [smem:$0x3FA4];
	_ =	sdelay $0x3  }
0x37: {  	[smem:$0x3FA4] =	sst s10  }
0x38: {  	s10 =	sld [smem:$0x3FA5]  }
0x39: {  	_ = 	snop;
	(pc) =	sbr.ind lr, $3  }
0x3a: {  	_ = 	snop  }
0x3b: {  	_ = 	snop  }
0x3c: {  	p2 =	seq.s32 s10, $0x1;
	s10 =	sld [smem:$0x3FA4]  }
0x3d: {  	_ =	shalt  }
0x3e: {  	_ =	shalt  }
0x3f: {  	_ =	shalt  }
0x40: {  	_ =	shalt  }
0x41: {  	_ =	shalt  }
0x42: {  	_ =	shalt  }
0x43: {  	_ =	shalt  }
0x44: {  	_ =	shalt  }
0x45: {  	_ =	shalt  }
0x46: {  	_ =	shalt  }
0x47: {  	_ =	shalt  }
0x48: {  	_ =	shalt  }
0x49: {  	_ =	shalt  }
0x4a: {  	_ =	shalt  }
0x4b: {  	_ =	shalt  }
0x4c: {  	_ =	shalt  }
0x4d: {  	_ =	shalt  }
0x4e: {  	_ =	shalt  }
0x4f: {  	_ =	shalt  }
0x50: {  	_ =	shalt  }
0x51: {  	_ =	shalt  }
0x52: {  	_ =	shalt  }
0x53: {  	_ =	shalt  }
0x54: {  	_ =	shalt  }
0x55: {  	_ =	shalt  }
0x56: {  	_ =	shalt  }
0x57: {  	_ =	shalt  }
0x58: {  	_ =	shalt  }
0x59: {  	_ =	shalt  }
0x5a: {  	_ =	shalt  }
0x5b: {  	_ =	shalt  }
0x5c: {  	_ =	shalt  }
0x5d: {  	_ =	shalt  }
0x5e: {  	_ =	shalt  }
0x5f: {  	_ =	shalt  }
0x60: {  	_ =	shalt  }
0x61: {  	_ =	shalt  }
0x62: {  	_ =	shalt  }
0x63: {  	_ =	shalt  }
0x64: {  	_ =	shalt  }
0x65: {  	_ =	shalt  }
0x66: {  	_ =	shalt  }
0x67: {  	_ =	shalt  }
0x68: {  	_ =	shalt  }
0x69: {  	_ =	shalt  }
0x6a: {  	_ =	shalt  }
0x6b: {  	_ =	shalt  }
0x6c: {  	_ =	shalt  }
0x6d: {  	_ =	shalt  }
0x6e: {  	_ =	shalt  }
0x6f: {  	_ =	shalt  }
0x70: {  	_ =	shalt  }
0x71: {  	_ =	shalt  }
0x72: {  	_ =	shalt  }
0x73: {  	_ =	shalt  }
0x74: {  	_ =	shalt  }
0x75: {  	_ =	shalt  }
0x76: {  	_ =	shalt  }
0x77: {  	_ =	shalt  }
0x78: {  	_ =	shalt  }
0x79: {  	_ =	shalt  }
0x7a: {  	_ =	shalt  }
0x7b: {  	_ =	shalt  }
0x7c: {  	_ =	shalt  }
0x7d: {  	_ =	shalt  }
0x7e: {  	_ =	shalt  }
0x7f: {  	_ =	shalt  }
0x80: {  	_ =	shalt  }
0x81: {  	_ =	shalt  }
0x82: {  	_ =	shalt  }
0x83: {  	_ =	shalt  }
0x84: {  	_ =	shalt  }
0x85: {  	_ =	shalt  }
0x86: {  	_ =	shalt  }
0x87: {  	_ =	shalt  }
.Lfunc_end0:
.L_simem_size_0:
called_computation.2_lowered:
.L_overlay_start_0:
0x88: {  	s2 =	sld [smem:$0x3FD9]  }
0x89: {  	s3 =	sld [smem:$0x3FFE];
	_ =	sdelay $0x1  }
0x8a: {  	s1 =	srdreg.scid  }
0x8b: {  	s0 =	sand.u32 $0x1, s1  }
0x8c: {  	s16 =	sshll.u32 s0, $0xA;
	s2 =	sadd.s32 s3, s2  }
0x8d: {  	s2 =	sadd.s32 s2, s16  }
0x8e: {  	[smem:$0x3FB0] =	sst s2  }
0x8f: {  	_ = 	snop  }
0x90: {  	(tm) =	ssettm $0x1  }
0x91: {  	s17 =	sld [smem:$0x3FFB];
	_ =	sdelay $0x3  }
0x92: {  	_ =	strace s17  }
0x93: {  	s2 =	sld [smem:$0x3FFC];
	_ =	sdelay $0x3  }
0x94: {  	_ =	strace s2  }
0x95: {  	s2 =	sld [smem:$0x3FFD];
	_ =	sdelay $0x3  }
0x96: {  	_ =	strace s2  }
0x97: {  	_ =	strace $0x8FFFFFFF  }
0x98: {  	s18 =	sld [smem:$0x3FDB];
	_ =	sdelay $0x1  }
0x99: {  	s19 =	simm.s32 $_scs_section_size  }
0x9a: {  	s4 =	simm.s32 $_size__tile_overlayer_lowered;
	s5 =	simm.s32 $_tile_overlayer_lowered  }
0x9b: {  	s22 =	simm.s32 $0x1BFF;
	s21 =	sshll.u32 s5, $0x1;
	s2 =	sadd.s32 s19, s18  }
0x9c: {  	s6 =	simm.s32 $0x0;
	s20 =	sshll.u32 s4, $0x1;
	s4 =	sadd.s32 s21, s2  }
0x9d: {  	[timem:s6], [sflag:s22] =	dma.local [hbm:s4], s20  }
0x9e: {  	_ =	swait.ge [sflag:s22], s20  }
0x9f: {  	s3 =	ssub.s32 $0x0, s20;
	[sflag:s22] =	ssyncset.done $0x0  }
0xa0: {  	[sflag:s22] =	ssyncadd.s32 s3;
	_ =	sdelay $0x1  }
0xa1: {  	s23 =	simm.s32 $0x1B8B  }
0xa2: {  	_ =	swait.ge [sflag:s23], $0x1  }
0xa3: {  	[sflag:s23] =	ssyncset.done $0x0  }
0xa4: {  	s25 =	simm.s32 $0x1B8E;
	s24 =	sld [smem:$0x3FFE];
	[sflag:s23] =	ssyncadd.s32 $0xFFFFFFFF  }
0xa5: {  	s26 =	simm.s32 $execute0_lowered;
	[smem:$0x3FD2] =	sst s25  }
0xa6: {  	s4 =	sshll.u32 s26, $0x1;
	_ =	strace $0x8000004C;
	[dreg:$0x1] =	wrdreg $0xFFFFFFFF  }
0xa7: {  	s28 =	simm.s32 $_size_execute0_lowered;
	s2 =	sadd.s32 s2, s4;
	[dreg:$0x0] =	wrdreg $0x0  }
0xa8: {  	s4 =	sshll.u32 s28, $0x1;
	[dreg:$0x2] =	wrdreg s2  }
0xa9: {  	[dreg:$0x3] =	wrdreg s4  }
0xaa: {  	[dreg:$0x4] =	wrdreg $0xC0  }
0xab: {  	_ =	task [dreg:s6], $0x5FFFF  }
0xac: {  	[dreg:$0x1] =	wrdreg $0xFFFFFFFF  }
0xad: {  	[dreg:$0x0] =	wrdreg $0x60  }
0xae: {  	[dreg:$0x2] =	wrdreg s24  }
0xaf: {  	[dreg:$0x3] =	wrdreg $0x9  }
0xb0: {  	_ =	task.clear_ibuf [dreg:s6], $0x4FFFF;
	_ =	strace $0x9000004C  }
0xb1: {  	s29 =	simm.s32 $0x9;
	_ =	strace $0x8000004E  }
0xb2: {  	_ =	swait.ge [sflag:s29], $0x1  }
0xb3: {  	[sflag:s29] =	ssyncadd.s32 $0xFFFFFFFF  }
0xb4: {  	_ =	strace $0x9000004E  }
0xb5: {  	_ =	sfence  }
0xb6: {  	s30 =	sld [smem:$0x0];
	_ =	sdelay $0x2  }
0xb7: {  	s31 =	sshll.u32 s1, $0xD;
	s1 =	sshrl.u32 s1, $0x2  }
0xb8: {  	s3 =	sand.u32 $0x4000, s31;
	s1 =	sadd.s32 s1, s30  }
0xb9: {  	s0 =	sor.u32 s3, s0;
	s1 =	sshll.u32 s1, $0x11  }
0xba: {  	s0 =	sor.u32 s1, s0  }
0xbb: {  	s0 =	sadd.s32 $0x8F2B, s0  }
0xbc: {  	[sflag:s0] =	ssyncadd.remote.s32 $0x1  }
0xbd: {  	_ =	sfence.sel $0xFFFF  }
0xbe: {  	[dreg:$0x0] =	wrdreg $0xFFFFFFFF;
	(pc) =	sbr.abs _section_cstart, $3  }
0xbf: {  	[dreg:$0x1] =	wrdreg $0xFFFFFFFF  }
0xc0: {  	_ =	task.clear_ibuf [dreg:s6], $0x2FFFF;
	_ =	strace $0x9FFFFFFF  }
0xc1: {  	(tm) =	ssettm $0x7FFFFFFF  }
tec
execute0_lowered:
.L_overlay_start_1:
0x0: {  	(tag) =	ssettag $0x1  }
0x1: {  	s1 =	srdreg.scid  }
0x2: {  	s0 =	stileid.u32;
	s6 =	sand.u32 $0x1, s1  }
0x3: {  	s8 =	rddreg [dreg:$0x0];
	s30 =	sshll.u32 s0, $0x8;
	s2 =	sshll.u32 s6, $0x7  }
0x4: {  	s7 =	simm.s32 $0x1;
	s1 =	rddreg [dreg:$0x1];
	s9 =	sor.u32 s2, s30  }
0x5: {  	s5 =	sadd.s32 $0x43C00, s8;
	s2 =	simm.s32 $0x0;
	s3 =	sshrl.u32 s9, $0x3  }
0x6: {  	s10 =	ssub.s32 $0x2, s6;
	[smem:$0x7FF] =	sst s2;
	s3 =	sadd.s32 s3, s8  }
0x7: {  	_ =	strace $0x8000004D;
	s4 =	sadd.s32 $0x3C00, s3;
	s3 =	simm.s32 $0x2  }
0x8: {  	[tilespmem:s2], [sflag:$0x2] =	stream.linear.gather [hbm4b:s4+s2], $0x80, $0x38;
	[tilespmem:$0x4080] =	vst v63  }
0x9: {  	s6 =	simm.s32 $0x80;
	s11 =	sshrl.u32 s10, $0x1;
	_ =	swait.ge [sflag:s3], $0x80  }
0xa: {  	s9 =	sshll.u32 s9, $0x4;
	s31 =	ssub.s32 s10, s11;
	[sflag:s3] =	ssyncset.done $0x0  }
0xb: {  	s8 =	sadd.s32 s9, s8;
	s9 =	smax.u32 s31, $0x1;
	[sflag:s3] =	ssyncadd.s32 $0xFFFFFF80  }
0xc: {  	[tilespmem:s6], [sflag:$0x1] =	stream.indirect.gather [hbm4b:s5+s6], $0x80, s2, s6, $0xb8;
	[tilespmem:$0x4080] =	vst v63  }
0xd: {  	p0 =	sne.s32 s9, $0x1;
	_ =	swait.ge [sflag:s7], $0x4000  }
.Ltmp0:
0xe: {  	[sflag:s7] =	ssyncset.done $0x0;
	(pc) =	sbr.rel @!p0 .LBB2_2-.Ltmp0, $4  }
0xf: {  	s8 =	sadd.s32 $0x3E00, s8;
	[sflag:s7] =	ssyncadd.s32 $0xFFFFC000  }
0x10: {  	[hbm4b:s8+s2] =	stream.linear.scatter [tilespmem:s6], [sflag:$0x2], $0x4000, $0x38;
	[tilespmem:$0x4080] =	vst v63  }
0x11: {  	_ =	swait.ge [sflag:s3], $0x4000  }
0x12: {  	s9 =	sadd.s32 $0xFFFFFFFF, s9;
	[sflag:s3] =	ssyncset.done $0x0  }
.LBB2_1:
0x13: {  	p0 =	sne.s32 s9, $0x1;
	s9 =	sadd.s32 $0xFFFFFFFF, s9;
	[sflag:s3] =	ssyncadd.s32 $0xFFFFC000  }
0x14: {  	[tilespmem:s2], [sflag:$0x2] =	stream.linear.gather [hbm4b:s4+s2], $0x80, $0x38;
	[tilespmem:$0x4080] =	vst v63  }
0x15: {  	_ =	swait.ge [sflag:s3], $0x80  }
0x16: {  	[sflag:s3] =	ssyncset.done $0x0  }
0x17: {  	[sflag:s3] =	ssyncadd.s32 $0xFFFFFF80  }
0x18: {  	[tilespmem:s6], [sflag:$0x1] =	stream.indirect.gather [hbm4b:s5+s6], $0x80, s2, s6, $0xb8;
	[tilespmem:$0x4080] =	vst v63  }
0x19: {  	_ =	swait.ge [sflag:s7], $0x4000  }
.Ltmp1:
0x1a: {  	[sflag:s7] =	ssyncset.done $0x0;
	(pc) =	sbr.rel @p0 .LBB2_1-.Ltmp1, $4  }
0x1b: {  	[sflag:s7] =	ssyncadd.s32 $0xFFFFC000  }
0x1c: {  	[hbm4b:s8+s2] =	stream.linear.scatter [tilespmem:s6], [sflag:$0x2], $0x4000, $0x38;
	[tilespmem:$0x4080] =	vst v63  }
0x1d: {  	_ =	swait.ge [sflag:s3], $0x4000  }
0x1e: {  	[sflag:s3] =	ssyncset.done $0x0  }
.LBB2_2:
0x1f: {  	[sflag:s3] =	ssyncadd.s32 $0xFFFFC000  }
0x20: {  	_ =	sfence.sel $0x180000  }
0x21: {  	[bflag:$0x0] =	sbarrier.arrive $0xFFFF  }
0x22: {  	p0 =	sne.s32 s0, $0x0;
	_ =	strace $0x9000004D  }
0x23: {  	s0 =	sadd.s32 @!p0 $0x100000, s1;
	[bflag:$0x2] =	sbarrier.arrive $0xFFFF  }
0x24: {  	[sflag:s0] =	ssyncadd.tile.s32 @!p0 $0x1;
	_ =	shalt  }
.Lfunc_end2:
_tile_overlayer_lowered:
.L_overlay_start_2:
0x25: {  	(tag) =	ssettag $0x2  }
0x26: {  	s0 =	rddreg [dreg:$0x0];
	s2 =	stileid.u32  }
0x27: {  	s1 =	rddreg [dreg:$0x1];
	p0 =	sne.s32 s2, $0x0  }
0x28: {  	s3 =	rddreg [dreg:$0x2];
	[bflag:$0x3] =	sbarrier.arrive $0xFFFF;
	s2 =	simm.s32 @!p0 $0x1C02  }
0x29: {  	[timem:s3], [sflag:s2] =	dma.local @!p0 [hbm:s0], s1  }
0x2a: {  	s0 =	simm.s32 @!p0 $0x2  }
0x2b: {  	_ =	swait.ge @!p0 [sflag:s0], s1  }
0x2c: {  	s1 =	ssub.s32 @!p0 $0x0, s1;
	[sflag:s0] =	ssyncset.done @!p0 $0x0  }
0x2d: {  	[sflag:s0] =	ssyncadd.s32 @!p0 s1  }
0x2e: {  	[bflag:$0x3] =	sbarrier.arrive $0xFFFF  }
0x2f: {  	_ =	shalt  }

</sc_bundles>
